<compile_context>
chip_gen: v7x
topology: tpu7x:2x2x1
jax: 0.10.2.dev20260603
libtpu: 0.0.44.dev20260713+nightly
codegen_flags: <defaults>
</compile_context>

<pallas_src>
import functools

import jax
import jax.numpy as jnp
from jax import lax
from jax.experimental import pallas as pl
from jax.experimental.pallas import tpu as pltpu
from jax.experimental.pallas import tpu_sc as plsc

_VAR0, _VAR1 = 0.1, 0.2
_CONF_THR = 0.5
_NMS_THR = 0.4
_TOP_K = 750
_NP = 20000
_PP = 20480
_R, _L = 160, 128
_SIZE = 640.0
_BIG = 2 ** 30
_KB = 768
_KD = 128


def _decode_nms_body(in_ref, comp_ref, ki_ref, miota_ref,
                     kx1_ref, ky1_ref, kx2_ref, ky2_ref, kta_ref):
    lx, ly, lw, lh = in_ref[0], in_ref[1], in_ref[2], in_ref[3]
    pcx, pcy, pw, ph = in_ref[4], in_ref[5], in_ref[6], in_ref[7]
    conf1 = in_ref[8]

    cx = pcx + lx * _VAR0 * pw
    cy = pcy + ly * _VAR0 * ph
    w = pw * jnp.exp(lw * _VAR1)
    h = ph * jnp.exp(lh * _VAR1)
    x1 = (cx - w / 2.0) * _SIZE
    y1 = (cy - h / 2.0) * _SIZE
    x2 = (cx + w / 2.0) * _SIZE
    y2 = (cy + h / 2.0) * _SIZE
    comp_ref[0] = x1
    comp_ref[1] = y1
    comp_ref[2] = x2
    comp_ref[3] = y2
    for k in range(5):
        comp_ref[4 + 2 * k] = (pcx + pw * in_ref[9 + 2 * k] * _VAR0) * _SIZE
        comp_ref[5 + 2 * k] = (pcy + ph * in_ref[9 + 2 * k + 1] * _VAR0) * _SIZE

    c_thr = _NMS_THR / (1.0 + _NMS_THR)
    c_eps = 1e-9 * c_thr

    iota2 = (lax.broadcasted_iota(jnp.int32, (_R, _L), 0) * _L
             + lax.broadcasted_iota(jnp.int32, (_R, _L), 1))
    lane_iota = lax.broadcasted_iota(jnp.int32, (1, _L), 1)
    kio = (lax.broadcasted_iota(jnp.int32, (8, 128), 0) * 128
           + lax.broadcasted_iota(jnp.int32, (8, 128), 1))

    miota_ref[...] = jnp.where(conf1 > _CONF_THR, iota2, _BIG)

    def ext_sel(first):
        row = first // _L
        lane = first - row * _L

        def ext(c):
            v = comp_ref[c, pl.ds(row, 1), :]
            return jnp.sum(jnp.where(lane_iota == lane, v, 0.0))

        return ext(0), ext(1), ext(2), ext(3)

    def chunk_body(carry):
        fc, s, nk, keep = carry
        rb = fc * 8
        x1c = comp_ref[0, pl.ds(rb, 8), :]
        y1c = comp_ref[1, pl.ds(rb, 8), :]
        x2c = comp_ref[2, pl.ds(rb, 8), :]
        y2c = comp_ref[3, pl.ds(rb, 8), :]
        tac = (jnp.maximum(x2c - x1c, 0.0) * jnp.maximum(y2c - y1c, 0.0)
               * c_thr + c_eps)

        def entry_test4(i, cm):
            for j in range(16):
                k = jnp.minimum(16 * i + j, nk - 1)
                xi1, yi1 = kx1_ref[k], ky1_ref[k]
                xi2, yi2 = kx2_ref[k], ky2_ref[k]
                inter = (jnp.maximum(jnp.minimum(xi2, x2c) - jnp.maximum(xi1, x1c), 0.0)
                         * jnp.maximum(jnp.minimum(yi2, y2c) - jnp.maximum(yi1, y1c), 0.0))
                cm = jnp.where(inter > tac + kta_ref[k], _BIG, cm)
            return cm

        cm0 = lax.fori_loop(0, (nk + 15) // 16, entry_test4,
                            miota_ref[pl.ds(rb, 8), :])

        def sel_cond(c):
            s, nk, first, cm, keep = c
            return jnp.logical_and(s < _TOP_K, first < _PP)

        def sel_body(c):
            s, nk, first, cm, keep = c
            xi1, yi1, xi2, yi2 = ext_sel(first)
            ai = jnp.maximum(xi2 - xi1, 0.0) * jnp.maximum(yi2 - yi1, 0.0)
            kx1_ref[nk] = xi1
            ky1_ref[nk] = yi1
            kx2_ref[nk] = xi2
            ky2_ref[nk] = yi2
            kta_ref[nk] = ai * c_thr
            inter = (jnp.maximum(jnp.minimum(xi2, x2c) - jnp.maximum(xi1, x1c), 0.0)
                     * jnp.maximum(jnp.minimum(yi2, y2c) - jnp.maximum(yi1, y1c), 0.0))
            kill = (inter > tac + ai * c_thr) | (cm == first)
            cm = jnp.where(kill, _BIG, cm)
            keep = jnp.where(kio == s, first, keep)
            return s + 1, nk + 1, jnp.min(cm), cm, keep

        s, nk, _, _, keep = lax.while_loop(
            sel_cond, sel_body, (s, nk, jnp.min(cm0), cm0, keep))
        return fc + 1, s, nk, keep

    def chunk_cond(carry):
        fc, s, _, _ = carry
        return jnp.logical_and(fc < _R // 8, s < _TOP_K)

    _, _, _, keep = lax.while_loop(
        chunk_cond, chunk_body,
        (0, 0, 0, jnp.full((8, 128), _NP, jnp.int32)))
    ki_ref[...] = keep


def _sc_gather(table, idx):
    info = plsc.get_sparse_core_info()
    nw = info.num_cores * info.num_subcores
    bpw = _KB // nw
    mesh = plsc.VectorSubcoreMesh(core_axis_name="c", subcore_axis_name="s")

    @functools.partial(
        pl.kernel, mesh=mesh,
        out_type=jax.ShapeDtypeStruct((_KB, _KD), jnp.float32),
        scratch_types=[
            pltpu.VMEM((bpw,), jnp.int32),
            pltpu.VMEM((bpw, _KD), jnp.float32),
            pltpu.SemaphoreType.DMA,
        ],
    )
    def k(table_hbm, idx_hbm, out_hbm, idx_v, rows_v, sem):
        wid = lax.axis_index("s") * info.num_cores + lax.axis_index("c")
        base = wid * bpw
        pltpu.sync_copy(idx_hbm.at[pl.ds(base, bpw)], idx_v)
        pltpu.async_copy(table_hbm.at[idx_v], rows_v, sem).wait()
        pltpu.sync_copy(rows_v, out_hbm.at[pl.ds(base, bpw)])

    return k(table, idx)


def _comps(a):
    return a.T.reshape(a.shape[1], _R, _L)


def kernel(loc, conf, landms, prior_box):
    pad = _PP - _NP
    locp = jnp.pad(loc[0], ((0, pad), (0, 0)))
    confp = jnp.pad(conf[0], ((0, pad), (0, 0)))
    lmp = jnp.pad(landms[0], ((0, pad), (0, 0)))
    prp = jnp.pad(prior_box, ((0, pad), (0, 0)))
    confT = _comps(confp)
    inp = jnp.concatenate(
        [_comps(locp), _comps(prp), confT[1:2], _comps(lmp)], axis=0)

    comp, ki = pl.pallas_call(
        _decode_nms_body,
        out_shape=[
            jax.ShapeDtypeStruct((14, _R, _L), jnp.float32),
            jax.ShapeDtypeStruct((8, 128), jnp.int32),
        ],
        scratch_shapes=[pltpu.VMEM((_R, _L), jnp.int32)]
        + [pltpu.SMEM((_KB,), jnp.float32)] * 5,
    )(inp)

    table = jnp.concatenate([confT, comp], axis=0).reshape(
        16, _PP).T.reshape(_PP // 8, 128)
    idx = ki.reshape(-1)[:_KB]
    rows = _sc_gather(table, idx >> 3)
    sub = idx & 7
    r8 = rows.reshape(_KB, 8, 16)
    oh = (sub[:, None] == jnp.arange(8)[None, :]).astype(jnp.float32)
    sel = jnp.sum(r8 * oh[:, :, None], axis=1)
    conf_out = sel[:_TOP_K, 0:2]
    loc_out = sel[:_TOP_K, 2:6]
    lm_out = sel[:_TOP_K, 6:16]
    return conf_out, lm_out, loc_out

# --- scband reference (transcript-rebuilt; emitter-appended) ---
"""Pipeline reference for scband-retina-static-export-wrapper-10857677324962 (READ-ONLY COPY).

The authoritative reference and input builder live on the scoring server;
editing this copy changes nothing except your own understanding.
"""

import jax, jax.numpy as jnp
import numpy as np

VAR0, VAR1 = 0.1, 0.2
CONF_THR = 0.5
NMS_THR = 0.4
TOP_K = 750
P = 20000
SIZE_X, SIZE_Y = 640, 640


def setup_inputs(seed: int = 0) -> dict:
    key = jax.random.key(seed)
    k1, k2, k3, k4 = jax.random.split(key, 4)
    loc = jax.random.normal(k1, (1, P, 4), dtype=jnp.float32) * 0.1
    conf = jax.random.uniform(k2, (1, P, 2), dtype=jnp.float32)
    landms = jax.random.normal(k3, (1, P, 10), dtype=jnp.float32) * 0.1
    prior_box = jax.random.uniform(k4, (P, 4), dtype=jnp.float32) * 0.5 + 0.01
    return {"loc": loc, "conf": conf, "landms": landms, "prior_box": prior_box}


def decode_boxes(loc, priors):
    p = priors[None]  # [1, P, 4]
    cxcy = p[..., :2] + loc[..., :2] * VAR0 * p[..., 2:]
    wh = p[..., 2:] * jnp.exp(loc[..., 2:] * VAR1)
    boxes = jnp.concatenate([cxcy, wh], axis=2)
    boxes = jnp.concatenate([boxes[..., :2] - boxes[..., 2:] / 2.0,
                             boxes[..., :2] + boxes[..., 2:] / 2.0], axis=2)
    return boxes


def decode_landms(pre, priors):
    p = priors[None, :, None, :]  # [1, P, 1, 4]
    l = pre.reshape(pre.shape[0], pre.shape[1], -1, 2)  # [B, P, 5, 2]
    out = p[..., 0:2] + p[..., 2:4] * l * VAR0
    return out.reshape(pre.shape[1], -1)  # [P, 10] (B must be 1, as in torch code)


def nms_indices(boxes, scores, iou_thr, max_out):
    x1, y1, x2, y2 = boxes[:, 0], boxes[:, 1], boxes[:, 2], boxes[:, 3]
    areas = jnp.maximum(x2 - x1, 0.0) * jnp.maximum(y2 - y1, 0.0)

    def step(sup, _):
        s = jnp.where(sup, -jnp.inf, scores)
        idx = jnp.argmax(s)
        valid = s[idx] > 0.0
        k = jnp.where(valid, idx, -1).astype(jnp.int32)
        bx1 = jnp.maximum(x1[idx], x1)
        by1 = jnp.maximum(y1[idx], y1)
        bx2 = jnp.minimum(x2[idx], x2)
        by2 = jnp.minimum(y2[idx], y2)
        inter = jnp.maximum(bx2 - bx1, 0.0) * jnp.maximum(by2 - by1, 0.0)
        iou = inter / (areas[idx] + areas - inter + 1e-9)
        sup = sup | jnp.where(valid, iou > iou_thr, False)
        sup = sup.at[idx].set(True)
        return sup, k

    sup0 = scores <= 0.0
    _, keep = jax.lax.scan(step, sup0, None, length=max_out)
    return keep


def reference(loc, conf, landms, prior_box):
    B = loc.shape[0]
    Pn = prior_box.shape[0]
    scale = jnp.array([SIZE_X, SIZE_Y], dtype=jnp.float32).reshape(1, 2)
    lm = decode_landms(landms, prior_box)  # [P, 10]
    lm = (lm.reshape(B, Pn, 5, 2) * scale).reshape(B, Pn, 10)
    bx = decode_boxes(loc, prior_box)  # [B, P, 4]
    bx = (bx.reshape(B, Pn, 2, 2) * scale).reshape(B, Pn, 4)
    score_raw = conf[..., -1].reshape(-1)
    mask = score_raw > CONF_THR
    # torch code: score = confidence_select[confidence_select] -> all-True booleans
    score = jnp.where(mask, 1.0, 0.0)
    lm_f = lm.reshape(Pn, 10)
    bx_f = bx.reshape(Pn, 4)
    conf_f = conf.reshape(Pn, 2)
    keep = nms_indices(jax.lax.stop_gradient(bx_f), jax.lax.stop_gradient(score), NMS_THR, TOP_K)
    valid = (keep >= 0).astype(jnp.float32)[:, None]
    ki = jnp.maximum(keep, 0)
    conf_out = conf_f[ki] * valid
    lm_out = lm_f[ki] * valid
    loc_out = bx_f[ki] * valid
    return (conf_out, lm_out, loc_out)

if __name__ == "__main__":
    import jax
    _d = setup_inputs()
    print(jax.jit(kernel)(*tuple(_d.values())))

</pallas_src>

<mosaic_0001>
#map = affine_map<(d0, d1) -> (0, 0)>
#map1 = affine_map<(d0, d1) -> (0)>
module attributes {stable_mosaic.version = 14 : i64} {
  func.func @k(%arg0: i32, %arg1: i32, %arg2: memref<2560x128xf32, #tpu.memory_space<hbm>>, %arg3: memref<768xi32, #tpu.memory_space<hbm>>, %arg4: memref<768x128xf32, #tpu.memory_space<hbm>>, %arg5: memref<24xi32, #tpu.memory_space<vmem>>, %arg6: memref<24x128xf32, #tpu.memory_space<vmem>>, %arg7: memref<!tpu.dma_semaphore, #tpu.memory_space<semaphore_mem>>) attributes {dimension_semantics = [#tpu.dimension_semantics<core_parallel>, #tpu.dimension_semantics<subcore_parallel>], iteration_bounds = array<i64: 2, 16>, scalar_prefetch = 0 : i64, scratch_operands = 3 : i64, tpu.core_type = #tpu.core_type<sc_vector_subcore>, window_params = [{transform_indices = #map}, {transform_indices = #map1}, {transform_indices = #map}]} {
    %mul3A = arith.constant 2 : i32
    %mul3A_0 = arith.muli %arg1, %mul3A : i32
    %add3A = arith.addi %mul3A_0, %arg0 : i32
    %mul3A_1 = arith.constant 24 : i32
    %mul3A_2 = arith.muli %add3A, %mul3A_1 : i32
    "tpu.region"() ({
      %run_scoped3A = tpu.sem_alloc : memref<!tpu.dma_semaphore, #tpu.memory_space<semaphore_mem>>
      %dma_start3A_7 = tpu.memref_slice %arg3[%mul3A_2] : memref<768xi32, #tpu.memory_space<hbm>> -> memref<24xi32, #tpu.memory_space<hbm>>
      %dma_start3A_8 = tpu.memref_slice %arg3[%mul3A_2] : memref<768xi32, #tpu.memory_space<hbm>> -> memref<24xi32, #tpu.memory_space<hbm>>
      tpu.enqueue_dma source(%dma_start3A_8 : memref<24xi32, #tpu.memory_space<hbm>>) target(%arg5 : memref<24xi32, #tpu.memory_space<vmem>>) target_semaphore(%run_scoped3A : memref<!tpu.dma_semaphore, #tpu.memory_space<semaphore_mem>>)
      %dma_wait3A_9 = tpu.memref_slice %arg3[%mul3A_2] : memref<768xi32, #tpu.memory_space<hbm>> -> memref<24xi32, #tpu.memory_space<hbm>>
      %dma_wait3A_10 = tpu.memref_slice %arg3[%mul3A_2] : memref<768xi32, #tpu.memory_space<hbm>> -> memref<24xi32, #tpu.memory_space<hbm>>
      tpu.wait_dma2 semaphore(%run_scoped3A : memref<!tpu.dma_semaphore, #tpu.memory_space<semaphore_mem>>) src(%dma_wait3A_10 : memref<24xi32, #tpu.memory_space<hbm>>) dst(%arg5 : memref<24xi32, #tpu.memory_space<vmem>>)
      tpu.yield
    }) : () -> ()
    %dma_start3A = arith.constant 0 : i32
    %dma_start3A_3 = arith.constant 0 : i32
    %dma_start3A_4 = tpu.memref_slice %arg2[%dma_start3A, %dma_start3A_3] : memref<2560x128xf32, #tpu.memory_space<hbm>> -> memref<2560x128xf32, #tpu.memory_space<hbm>>
    tpu.enqueue_indirect_dma source(%dma_start3A_4 : memref<2560x128xf32, #tpu.memory_space<hbm>>) target(%arg6 : memref<24x128xf32, #tpu.memory_space<vmem>>) offsets(%arg5 : memref<24xi32, #tpu.memory_space<vmem>>) semaphore(%arg7 : memref<!tpu.dma_semaphore, #tpu.memory_space<semaphore_mem>>)
    %dma_wait3A = arith.constant 0 : i32
    %dma_wait3A_5 = arith.constant 0 : i32
    %dma_wait3A_6 = tpu.memref_slice %arg2[%dma_wait3A, %dma_wait3A_5] : memref<2560x128xf32, #tpu.memory_space<hbm>> -> memref<2560x128xf32, #tpu.memory_space<hbm>>
    tpu.wait_indirect_dma semaphore(%arg7 : memref<!tpu.dma_semaphore, #tpu.memory_space<semaphore_mem>>) src(%dma_wait3A_6 : memref<2560x128xf32, #tpu.memory_space<hbm>>) dst(%arg6 : memref<24x128xf32, #tpu.memory_space<vmem>>)
    "tpu.region"() ({
      %run_scoped3A = tpu.sem_alloc : memref<!tpu.dma_semaphore, #tpu.memory_space<semaphore_mem>>
      %dma_start3A_7 = arith.constant 0 : i32
      %dma_start3A_8 = tpu.memref_slice %arg4[%mul3A_2, %dma_start3A_7] : memref<768x128xf32, #tpu.memory_space<hbm>> -> memref<24x128xf32, #tpu.memory_space<hbm>>
      %dma_start3A_9 = arith.constant 0 : i32
      %dma_start3A_10 = tpu.memref_slice %arg4[%mul3A_2, %dma_start3A_9] : memref<768x128xf32, #tpu.memory_space<hbm>> -> memref<24x128xf32, #tpu.memory_space<hbm>>
      tpu.enqueue_dma source(%arg6 : memref<24x128xf32, #tpu.memory_space<vmem>>) target(%dma_start3A_10 : memref<24x128xf32, #tpu.memory_space<hbm>>) target_semaphore(%run_scoped3A : memref<!tpu.dma_semaphore, #tpu.memory_space<semaphore_mem>>)
      %dma_wait3A_11 = arith.constant 0 : i32
      %dma_wait3A_12 = tpu.memref_slice %arg4[%mul3A_2, %dma_wait3A_11] : memref<768x128xf32, #tpu.memory_space<hbm>> -> memref<24x128xf32, #tpu.memory_space<hbm>>
      %dma_wait3A_13 = arith.constant 0 : i32
      %dma_wait3A_14 = tpu.memref_slice %arg4[%mul3A_2, %dma_wait3A_13] : memref<768x128xf32, #tpu.memory_space<hbm>> -> memref<24x128xf32, #tpu.memory_space<hbm>>
      tpu.wait_dma2 semaphore(%run_scoped3A : memref<!tpu.dma_semaphore, #tpu.memory_space<semaphore_mem>>) src(%arg6 : memref<24x128xf32, #tpu.memory_space<vmem>>) dst(%dma_wait3A_14 : memref<24x128xf32, #tpu.memory_space<hbm>>)
      tpu.yield
    }) : () -> ()
    return
  }
}

module attributes {stable_mosaic.version = 14 : i64} {
  func.func @_decode_nms_body(%arg0: memref<19x160x128xf32, #tpu.memory_space<vmem>>, %arg1: memref<14x160x128xf32, #tpu.memory_space<vmem>>, %arg2: memref<8x128xi32, #tpu.memory_space<vmem>>, %arg3: memref<160x128xi32, #tpu.memory_space<vmem>>, %arg4: memref<768xf32, #tpu.memory_space<smem>>, %arg5: memref<768xf32, #tpu.memory_space<smem>>, %arg6: memref<768xf32, #tpu.memory_space<smem>>, %arg7: memref<768xf32, #tpu.memory_space<smem>>, %arg8: memref<768xf32, #tpu.memory_space<smem>>) attributes {dimension_semantics = [], scalar_prefetch = 0 : i64, scratch_operands = 6 : i64, tpu.core_type = #tpu.core_type<tc>} {
    %get3A = arith.constant 0 : index
    %get3A_0 = arith.constant 0 : index
    %get3A_1 = arith.constant 0 : index
    %get3A_2 = vector.load %arg0[%get3A, %get3A_0, %get3A_1] : memref<19x160x128xf32, #tpu.memory_space<vmem>>, vector<1x160x128xf32>
    %get3A_3 = vector.shape_cast %get3A_2 : vector<1x160x128xf32> to vector<160x128xf32>
    %get3A_4 = arith.constant 1 : index
    %get3A_5 = arith.constant 0 : index
    %get3A_6 = arith.constant 0 : index
    %get3A_7 = vector.load %arg0[%get3A_4, %get3A_5, %get3A_6] : memref<19x160x128xf32, #tpu.memory_space<vmem>>, vector<1x160x128xf32>
    %get3A_8 = vector.shape_cast %get3A_7 : vector<1x160x128xf32> to vector<160x128xf32>
    %get3A_9 = arith.constant 2 : index
    %get3A_10 = arith.constant 0 : index
    %get3A_11 = arith.constant 0 : index
    %get3A_12 = vector.load %arg0[%get3A_9, %get3A_10, %get3A_11] : memref<19x160x128xf32, #tpu.memory_space<vmem>>, vector<1x160x128xf32>
    %get3A_13 = vector.shape_cast %get3A_12 : vector<1x160x128xf32> to vector<160x128xf32>
    %get3A_14 = arith.constant 3 : index
    %get3A_15 = arith.constant 0 : index
    %get3A_16 = arith.constant 0 : index
    %get3A_17 = vector.load %arg0[%get3A_14, %get3A_15, %get3A_16] : memref<19x160x128xf32, #tpu.memory_space<vmem>>, vector<1x160x128xf32>
    %get3A_18 = vector.shape_cast %get3A_17 : vector<1x160x128xf32> to vector<160x128xf32>
    %get3A_19 = arith.constant 4 : index
    %get3A_20 = arith.constant 0 : index
    %get3A_21 = arith.constant 0 : index
    %get3A_22 = vector.load %arg0[%get3A_19, %get3A_20, %get3A_21] : memref<19x160x128xf32, #tpu.memory_space<vmem>>, vector<1x160x128xf32>
    %get3A_23 = vector.shape_cast %get3A_22 : vector<1x160x128xf32> to vector<160x128xf32>
    %get3A_24 = arith.constant 5 : index
    %get3A_25 = arith.constant 0 : index
    %get3A_26 = arith.constant 0 : index
    %get3A_27 = vector.load %arg0[%get3A_24, %get3A_25, %get3A_26] : memref<19x160x128xf32, #tpu.memory_space<vmem>>, vector<1x160x128xf32>
    %get3A_28 = vector.shape_cast %get3A_27 : vector<1x160x128xf32> to vector<160x128xf32>
    %get3A_29 = arith.constant 6 : index
    %get3A_30 = arith.constant 0 : index
    %get3A_31 = arith.constant 0 : index
    %get3A_32 = vector.load %arg0[%get3A_29, %get3A_30, %get3A_31] : memref<19x160x128xf32, #tpu.memory_space<vmem>>, vector<1x160x128xf32>
    %get3A_33 = vector.shape_cast %get3A_32 : vector<1x160x128xf32> to vector<160x128xf32>
    %get3A_34 = arith.constant 7 : index
    %get3A_35 = arith.constant 0 : index
    %get3A_36 = arith.constant 0 : index
    %get3A_37 = vector.load %arg0[%get3A_34, %get3A_35, %get3A_36] : memref<19x160x128xf32, #tpu.memory_space<vmem>>, vector<1x160x128xf32>
    %get3A_38 = vector.shape_cast %get3A_37 : vector<1x160x128xf32> to vector<160x128xf32>
    %get3A_39 = arith.constant 8 : index
    %get3A_40 = arith.constant 0 : index
    %get3A_41 = arith.constant 0 : index
    %get3A_42 = vector.load %arg0[%get3A_39, %get3A_40, %get3A_41] : memref<19x160x128xf32, #tpu.memory_space<vmem>>, vector<1x160x128xf32>
    %get3A_43 = vector.shape_cast %get3A_42 : vector<1x160x128xf32> to vector<160x128xf32>
    %mul3A = arith.constant 1.000000e-01 : f32
    %mul3A_44 = vector.broadcast %mul3A : f32 to vector<160x128xf32>
    %mul3A_45 = arith.mulf %get3A_3, %mul3A_44 : vector<160x128xf32>
    %mul3A_46 = arith.mulf %mul3A_45, %get3A_33 : vector<160x128xf32>
    %add3A = arith.addf %get3A_23, %mul3A_46 : vector<160x128xf32>
    %mul3A_47 = arith.constant 1.000000e-01 : f32
    %mul3A_48 = vector.broadcast %mul3A_47 : f32 to vector<160x128xf32>
    %mul3A_49 = arith.mulf %get3A_8, %mul3A_48 : vector<160x128xf32>
    %mul3A_50 = arith.mulf %mul3A_49, %get3A_38 : vector<160x128xf32>
    %add3A_51 = arith.addf %get3A_28, %mul3A_50 : vector<160x128xf32>
    %mul3A_52 = arith.constant 2.000000e-01 : f32
    %mul3A_53 = vector.broadcast %mul3A_52 : f32 to vector<160x128xf32>
    %mul3A_54 = arith.mulf %get3A_13, %mul3A_53 : vector<160x128xf32>
    %exp3A = math.exp %mul3A_54 : vector<160x128xf32>
    %mul3A_55 = arith.mulf %get3A_33, %exp3A : vector<160x128xf32>
    %mul3A_56 = arith.constant 2.000000e-01 : f32
    %mul3A_57 = vector.broadcast %mul3A_56 : f32 to vector<160x128xf32>
    %mul3A_58 = arith.mulf %get3A_18, %mul3A_57 : vector<160x128xf32>
    %exp3A_59 = math.exp %mul3A_58 : vector<160x128xf32>
    %mul3A_60 = arith.mulf %get3A_38, %exp3A_59 : vector<160x128xf32>
    %div3A = arith.constant 2.000000e+00 : f32
    %div3A_61 = vector.broadcast %div3A : f32 to vector<160x128xf32>
    %div3A_62 = arith.divf %mul3A_55, %div3A_61 : vector<160x128xf32>
    %sub3A = arith.subf %add3A, %div3A_62 : vector<160x128xf32>
    %mul3A_63 = arith.constant 6.400000e+02 : f32
    %mul3A_64 = vector.broadcast %mul3A_63 : f32 to vector<160x128xf32>
    %mul3A_65 = arith.mulf %sub3A, %mul3A_64 : vector<160x128xf32>
    %div3A_66 = arith.constant 2.000000e+00 : f32
    %div3A_67 = vector.broadcast %div3A_66 : f32 to vector<160x128xf32>
    %div3A_68 = arith.divf %mul3A_60, %div3A_67 : vector<160x128xf32>
    %sub3A_69 = arith.subf %add3A_51, %div3A_68 : vector<160x128xf32>
    %mul3A_70 = arith.constant 6.400000e+02 : f32
    %mul3A_71 = vector.broadcast %mul3A_70 : f32 to vector<160x128xf32>
    %mul3A_72 = arith.mulf %sub3A_69, %mul3A_71 : vector<160x128xf32>
    %div3A_73 = arith.constant 2.000000e+00 : f32
    %div3A_74 = vector.broadcast %div3A_73 : f32 to vector<160x128xf32>
    %div3A_75 = arith.divf %mul3A_55, %div3A_74 : vector<160x128xf32>
    %add3A_76 = arith.addf %add3A, %div3A_75 : vector<160x128xf32>
    %mul3A_77 = arith.constant 6.400000e+02 : f32
    %mul3A_78 = vector.broadcast %mul3A_77 : f32 to vector<160x128xf32>
    %mul3A_79 = arith.mulf %add3A_76, %mul3A_78 : vector<160x128xf32>
    %div3A_80 = arith.constant 2.000000e+00 : f32
    %div3A_81 = vector.broadcast %div3A_80 : f32 to vector<160x128xf32>
    %div3A_82 = arith.divf %mul3A_60, %div3A_81 : vector<160x128xf32>
    %add3A_83 = arith.addf %add3A_51, %div3A_82 : vector<160x128xf32>
    %mul3A_84 = arith.constant 6.400000e+02 : f32
    %mul3A_85 = vector.broadcast %mul3A_84 : f32 to vector<160x128xf32>
    %mul3A_86 = arith.mulf %add3A_83, %mul3A_85 : vector<160x128xf32>
    %swap3A = arith.constant 0 : index
    %swap3A_87 = arith.constant 0 : index
    %swap3A_88 = arith.constant 0 : index
    %swap3A_89 = vector.load %arg1[%swap3A, %swap3A_87, %swap3A_88] : memref<14x160x128xf32, #tpu.memory_space<vmem>>, vector<1x160x128xf32>
    %swap3A_90 = vector.shape_cast %swap3A_89 : vector<1x160x128xf32> to vector<160x128xf32>
    %swap3A_91 = vector.shape_cast %mul3A_65 : vector<160x128xf32> to vector<1x160x128xf32>
    tpu.vector_store %arg1[%swap3A, %swap3A_87, %swap3A_88], %swap3A_91 {strides = array<i32>} : memref<14x160x128xf32, #tpu.memory_space<vmem>>, vector<1x160x128xf32>,
    %swap3A_92 = arith.constant 1 : index
    %swap3A_93 = arith.constant 0 : index
    %swap3A_94 = arith.constant 0 : index
    %swap3A_95 = vector.load %arg1[%swap3A_92, %swap3A_93, %swap3A_94] : memref<14x160x128xf32, #tpu.memory_space<vmem>>, vector<1x160x128xf32>
    %swap3A_96 = vector.shape_cast %swap3A_95 : vector<1x160x128xf32> to vector<160x128xf32>
    %swap3A_97 = vector.shape_cast %mul3A_72 : vector<160x128xf32> to vector<1x160x128xf32>
    tpu.vector_store %arg1[%swap3A_92, %swap3A_93, %swap3A_94], %swap3A_97 {strides = array<i32>} : memref<14x160x128xf32, #tpu.memory_space<vmem>>, vector<1x160x128xf32>,
    %swap3A_98 = arith.constant 2 : index
    %swap3A_99 = arith.constant 0 : index
    %swap3A_100 = arith.constant 0 : index
    %swap3A_101 = vector.load %arg1[%swap3A_98, %swap3A_99, %swap3A_100] : memref<14x160x128xf32, #tpu.memory_space<vmem>>, vector<1x160x128xf32>
    %swap3A_102 = vector.shape_cast %swap3A_101 : vector<1x160x128xf32> to vector<160x128xf32>
    %swap3A_103 = vector.shape_cast %mul3A_79 : vector<160x128xf32> to vector<1x160x128xf32>
    tpu.vector_store %arg1[%swap3A_98, %swap3A_99, %swap3A_100], %swap3A_103 {strides = array<i32>} : memref<14x160x128xf32, #tpu.memory_space<vmem>>, vector<1x160x128xf32>,
    %swap3A_104 = arith.constant 3 : index
    %swap3A_105 = arith.constant 0 : index
    %swap3A_106 = arith.constant 0 : index
    %swap3A_107 = vector.load %arg1[%swap3A_104, %swap3A_105, %swap3A_106] : memref<14x160x128xf32, #tpu.memory_space<vmem>>, vector<1x160x128xf32>
    %swap3A_108 = vector.shape_cast %swap3A_107 : vector<1x160x128xf32> to vector<160x128xf32>
    %swap3A_109 = vector.shape_cast %mul3A_86 : vector<160x128xf32> to vector<1x160x128xf32>
    tpu.vector_store %arg1[%swap3A_104, %swap3A_105, %swap3A_106], %swap3A_109 {strides = array<i32>} : memref<14x160x128xf32, #tpu.memory_space<vmem>>, vector<1x160x128xf32>,
    %get3A_110 = arith.constant 9 : index
    %get3A_111 = arith.constant 0 : index
    %get3A_112 = arith.constant 0 : index
    %get3A_113 = vector.load %arg0[%get3A_110, %get3A_111, %get3A_112] : memref<19x160x128xf32, #tpu.memory_space<vmem>>, vector<1x160x128xf32>
    %get3A_114 = vector.shape_cast %get3A_113 : vector<1x160x128xf32> to vector<160x128xf32>
    %mul3A_115 = arith.mulf %get3A_33, %get3A_114 : vector<160x128xf32>
    %mul3A_116 = arith.constant 1.000000e-01 : f32
    %mul3A_117 = vector.broadcast %mul3A_116 : f32 to vector<160x128xf32>
    %mul3A_118 = arith.mulf %mul3A_115, %mul3A_117 : vector<160x128xf32>
    %add3A_119 = arith.addf %get3A_23, %mul3A_118 : vector<160x128xf32>
    %mul3A_120 = arith.constant 6.400000e+02 : f32
    %mul3A_121 = vector.broadcast %mul3A_120 : f32 to vector<160x128xf32>
    %mul3A_122 = arith.mulf %add3A_119, %mul3A_121 : vector<160x128xf32>
    %swap3A_123 = arith.constant 4 : index
    %swap3A_124 = arith.constant 0 : index
    %swap3A_125 = arith.constant 0 : index
    %swap3A_126 = vector.load %arg1[%swap3A_123, %swap3A_124, %swap3A_125] : memref<14x160x128xf32, #tpu.memory_space<vmem>>, vector<1x160x128xf32>
    %swap3A_127 = vector.shape_cast %swap3A_126 : vector<1x160x128xf32> to vector<160x128xf32>
    %swap3A_128 = vector.shape_cast %mul3A_122 : vector<160x128xf32> to vector<1x160x128xf32>
    tpu.vector_store %arg1[%swap3A_123, %swap3A_124, %swap3A_125], %swap3A_128 {strides = array<i32>} : memref<14x160x128xf32, #tpu.memory_space<vmem>>, vector<1x160x128xf32>,
    %get3A_129 = arith.constant 10 : index
    %get3A_130 = arith.constant 0 : index
    %get3A_131 = arith.constant 0 : index
    %get3A_132 = vector.load %arg0[%get3A_129, %get3A_130, %get3A_131] : memref<19x160x128xf32, #tpu.memory_space<vmem>>, vector<1x160x128xf32>
    %get3A_133 = vector.shape_cast %get3A_132 : vector<1x160x128xf32> to vector<160x128xf32>
    %mul3A_134 = arith.mulf %get3A_38, %get3A_133 : vector<160x128xf32>
    %mul3A_135 = arith.constant 1.000000e-01 : f32
    %mul3A_136 = vector.broadcast %mul3A_135 : f32 to vector<160x128xf32>
    %mul3A_137 = arith.mulf %mul3A_134, %mul3A_136 : vector<160x128xf32>
    %add3A_138 = arith.addf %get3A_28, %mul3A_137 : vector<160x128xf32>
    %mul3A_139 = arith.constant 6.400000e+02 : f32
    %mul3A_140 = vector.broadcast %mul3A_139 : f32 to vector<160x128xf32>
    %mul3A_141 = arith.mulf %add3A_138, %mul3A_140 : vector<160x128xf32>
    %swap3A_142 = arith.constant 5 : index
    %swap3A_143 = arith.constant 0 : index
    %swap3A_144 = arith.constant 0 : index
    %swap3A_145 = vector.load %arg1[%swap3A_142, %swap3A_143, %swap3A_144] : memref<14x160x128xf32, #tpu.memory_space<vmem>>, vector<1x160x128xf32>
    %swap3A_146 = vector.shape_cast %swap3A_145 : vector<1x160x128xf32> to vector<160x128xf32>
    %swap3A_147 = vector.shape_cast %mul3A_141 : vector<160x128xf32> to vector<1x160x128xf32>
    tpu.vector_store %arg1[%swap3A_142, %swap3A_143, %swap3A_144], %swap3A_147 {strides = array<i32>} : memref<14x160x128xf32, #tpu.memory_space<vmem>>, vector<1x160x128xf32>,
    %get3A_148 = arith.constant 11 : index
    %get3A_149 = arith.constant 0 : index
    %get3A_150 = arith.constant 0 : index
    %get3A_151 = vector.load %arg0[%get3A_148, %get3A_149, %get3A_150] : memref<19x160x128xf32, #tpu.memory_space<vmem>>, vector<1x160x128xf32>
    %get3A_152 = vector.shape_cast %get3A_151 : vector<1x160x128xf32> to vector<160x128xf32>
    %mul3A_153 = arith.mulf %get3A_33, %get3A_152 : vector<160x128xf32>
    %mul3A_154 = arith.constant 1.000000e-01 : f32
    %mul3A_155 = vector.broadcast %mul3A_154 : f32 to vector<160x128xf32>
    %mul3A_156 = arith.mulf %mul3A_153, %mul3A_155 : vector<160x128xf32>
    %add3A_157 = arith.addf %get3A_23, %mul3A_156 : vector<160x128xf32>
    %mul3A_158 = arith.constant 6.400000e+02 : f32
    %mul3A_159 = vector.broadcast %mul3A_158 : f32 to vector<160x128xf32>
    %mul3A_160 = arith.mulf %add3A_157, %mul3A_159 : vector<160x128xf32>
    %swap3A_161 = arith.constant 6 : index
    %swap3A_162 = arith.constant 0 : index
    %swap3A_163 = arith.constant 0 : index
    %swap3A_164 = vector.load %arg1[%swap3A_161, %swap3A_162, %swap3A_163] : memref<14x160x128xf32, #tpu.memory_space<vmem>>, vector<1x160x128xf32>
    %swap3A_165 = vector.shape_cast %swap3A_164 : vector<1x160x128xf32> to vector<160x128xf32>
    %swap3A_166 = vector.shape_cast %mul3A_160 : vector<160x128xf32> to vector<1x160x128xf32>
    tpu.vector_store %arg1[%swap3A_161, %swap3A_162, %swap3A_163], %swap3A_166 {strides = array<i32>} : memref<14x160x128xf32, #tpu.memory_space<vmem>>, vector<1x160x128xf32>,
    %get3A_167 = arith.constant 12 : index
    %get3A_168 = arith.constant 0 : index
    %get3A_169 = arith.constant 0 : index
    %get3A_170 = vector.load %arg0[%get3A_167, %get3A_168, %get3A_169] : memref<19x160x128xf32, #tpu.memory_space<vmem>>, vector<1x160x128xf32>
    %get3A_171 = vector.shape_cast %get3A_170 : vector<1x160x128xf32> to vector<160x128xf32>
    %mul3A_172 = arith.mulf %get3A_38, %get3A_171 : vector<160x128xf32>
    %mul3A_173 = arith.constant 1.000000e-01 : f32
    %mul3A_174 = vector.broadcast %mul3A_173 : f32 to vector<160x128xf32>
    %mul3A_175 = arith.mulf %mul3A_172, %mul3A_174 : vector<160x128xf32>
    %add3A_176 = arith.addf %get3A_28, %mul3A_175 : vector<160x128xf32>
    %mul3A_177 = arith.constant 6.400000e+02 : f32
    %mul3A_178 = vector.broadcast %mul3A_177 : f32 to vector<160x128xf32>
    %mul3A_179 = arith.mulf %add3A_176, %mul3A_178 : vector<160x128xf32>
    %swap3A_180 = arith.constant 7 : index
    %swap3A_181 = arith.constant 0 : index
    %swap3A_182 = arith.constant 0 : index
    %swap3A_183 = vector.load %arg1[%swap3A_180, %swap3A_181, %swap3A_182] : memref<14x160x128xf32, #tpu.memory_space<vmem>>, vector<1x160x128xf32>
    %swap3A_184 = vector.shape_cast %swap3A_183 : vector<1x160x128xf32> to vector<160x128xf32>
    %swap3A_185 = vector.shape_cast %mul3A_179 : vector<160x128xf32> to vector<1x160x128xf32>
    tpu.vector_store %arg1[%swap3A_180, %swap3A_181, %swap3A_182], %swap3A_185 {strides = array<i32>} : memref<14x160x128xf32, #tpu.memory_space<vmem>>, vector<1x160x128xf32>,
    %get3A_186 = arith.constant 13 : index
    %get3A_187 = arith.constant 0 : index
    %get3A_188 = arith.constant 0 : index
    %get3A_189 = vector.load %arg0[%get3A_186, %get3A_187, %get3A_188] : memref<19x160x128xf32, #tpu.memory_space<vmem>>, vector<1x160x128xf32>
    %get3A_190 = vector.shape_cast %get3A_189 : vector<1x160x128xf32> to vector<160x128xf32>
    %mul3A_191 = arith.mulf %get3A_33, %get3A_190 : vector<160x128xf32>
    %mul3A_192 = arith.constant 1.000000e-01 : f32
    %mul3A_193 = vector.broadcast %mul3A_192 : f32 to vector<160x128xf32>
    %mul3A_194 = arith.mulf %mul3A_191, %mul3A_193 : vector<160x128xf32>
    %add3A_195 = arith.addf %get3A_23, %mul3A_194 : vector<160x128xf32>
    %mul3A_196 = arith.constant 6.400000e+02 : f32
    %mul3A_197 = vector.broadcast %mul3A_196 : f32 to vector<160x128xf32>
    %mul3A_198 = arith.mulf %add3A_195, %mul3A_197 : vector<160x128xf32>
    %swap3A_199 = arith.constant 8 : index
    %swap3A_200 = arith.constant 0 : index
    %swap3A_201 = arith.constant 0 : index
    %swap3A_202 = vector.load %arg1[%swap3A_199, %swap3A_200, %swap3A_201] : memref<14x160x128xf32, #tpu.memory_space<vmem>>, vector<1x160x128xf32>
    %swap3A_203 = vector.shape_cast %swap3A_202 : vector<1x160x128xf32> to vector<160x128xf32>
    %swap3A_204 = vector.shape_cast %mul3A_198 : vector<160x128xf32> to vector<1x160x128xf32>
    tpu.vector_store %arg1[%swap3A_199, %swap3A_200, %swap3A_201], %swap3A_204 {strides = array<i32>} : memref<14x160x128xf32, #tpu.memory_space<vmem>>, vector<1x160x128xf32>,
    %get3A_205 = arith.constant 14 : index
    %get3A_206 = arith.constant 0 : index
    %get3A_207 = arith.constant 0 : index
    %get3A_208 = vector.load %arg0[%get3A_205, %get3A_206, %get3A_207] : memref<19x160x128xf32, #tpu.memory_space<vmem>>, vector<1x160x128xf32>
    %get3A_209 = vector.shape_cast %get3A_208 : vector<1x160x128xf32> to vector<160x128xf32>
    %mul3A_210 = arith.mulf %get3A_38, %get3A_209 : vector<160x128xf32>
    %mul3A_211 = arith.constant 1.000000e-01 : f32
    %mul3A_212 = vector.broadcast %mul3A_211 : f32 to vector<160x128xf32>
    %mul3A_213 = arith.mulf %mul3A_210, %mul3A_212 : vector<160x128xf32>
    %add3A_214 = arith.addf %get3A_28, %mul3A_213 : vector<160x128xf32>
    %mul3A_215 = arith.constant 6.400000e+02 : f32
    %mul3A_216 = vector.broadcast %mul3A_215 : f32 to vector<160x128xf32>
    %mul3A_217 = arith.mulf %add3A_214, %mul3A_216 : vector<160x128xf32>
    %swap3A_218 = arith.constant 9 : index
    %swap3A_219 = arith.constant 0 : index
    %swap3A_220 = arith.constant 0 : index
    %swap3A_221 = vector.load %arg1[%swap3A_218, %swap3A_219, %swap3A_220] : memref<14x160x128xf32, #tpu.memory_space<vmem>>, vector<1x160x128xf32>
    %swap3A_222 = vector.shape_cast %swap3A_221 : vector<1x160x128xf32> to vector<160x128xf32>
    %swap3A_223 = vector.shape_cast %mul3A_217 : vector<160x128xf32> to vector<1x160x128xf32>
    tpu.vector_store %arg1[%swap3A_218, %swap3A_219, %swap3A_220], %swap3A_223 {strides = array<i32>} : memref<14x160x128xf32, #tpu.memory_space<vmem>>, vector<1x160x128xf32>,
    %get3A_224 = arith.constant 15 : index
    %get3A_225 = arith.constant 0 : index
    %get3A_226 = arith.constant 0 : index
    %get3A_227 = vector.load %arg0[%get3A_224, %get3A_225, %get3A_226] : memref<19x160x128xf32, #tpu.memory_space<vmem>>, vector<1x160x128xf32>
    %get3A_228 = vector.shape_cast %get3A_227 : vector<1x160x128xf32> to vector<160x128xf32>
    %mul3A_229 = arith.mulf %get3A_33, %get3A_228 : vector<160x128xf32>
    %mul3A_230 = arith.constant 1.000000e-01 : f32
    %mul3A_231 = vector.broadcast %mul3A_230 : f32 to vector<160x128xf32>
    %mul3A_232 = arith.mulf %mul3A_229, %mul3A_231 : vector<160x128xf32>
    %add3A_233 = arith.addf %get3A_23, %mul3A_232 : vector<160x128xf32>
    %mul3A_234 = arith.constant 6.400000e+02 : f32
    %mul3A_235 = vector.broadcast %mul3A_234 : f32 to vector<160x128xf32>
    %mul3A_236 = arith.mulf %add3A_233, %mul3A_235 : vector<160x128xf32>
    %swap3A_237 = arith.constant 10 : index
    %swap3A_238 = arith.constant 0 : index
    %swap3A_239 = arith.constant 0 : index
    %swap3A_240 = vector.load %arg1[%swap3A_237, %swap3A_238, %swap3A_239] : memref<14x160x128xf32, #tpu.memory_space<vmem>>, vector<1x160x128xf32>
    %swap3A_241 = vector.shape_cast %swap3A_240 : vector<1x160x128xf32> to vector<160x128xf32>
    %swap3A_242 = vector.shape_cast %mul3A_236 : vector<160x128xf32> to vector<1x160x128xf32>
    tpu.vector_store %arg1[%swap3A_237, %swap3A_238, %swap3A_239], %swap3A_242 {strides = array<i32>} : memref<14x160x128xf32, #tpu.memory_space<vmem>>, vector<1x160x128xf32>,
    %get3A_243 = arith.constant 16 : index
    %get3A_244 = arith.constant 0 : index
    %get3A_245 = arith.constant 0 : index
    %get3A_246 = vector.load %arg0[%get3A_243, %get3A_244, %get3A_245] : memref<19x160x128xf32, #tpu.memory_space<vmem>>, vector<1x160x128xf32>
    %get3A_247 = vector.shape_cast %get3A_246 : vector<1x160x128xf32> to vector<160x128xf32>
    %mul3A_248 = arith.mulf %get3A_38, %get3A_247 : vector<160x128xf32>
    %mul3A_249 = arith.constant 1.000000e-01 : f32
    %mul3A_250 = vector.broadcast %mul3A_249 : f32 to vector<160x128xf32>
    %mul3A_251 = arith.mulf %mul3A_248, %mul3A_250 : vector<160x128xf32>
    %add3A_252 = arith.addf %get3A_28, %mul3A_251 : vector<160x128xf32>
    %mul3A_253 = arith.constant 6.400000e+02 : f32
    %mul3A_254 = vector.broadcast %mul3A_253 : f32 to vector<160x128xf32>
    %mul3A_255 = arith.mulf %add3A_252, %mul3A_254 : vector<160x128xf32>
    %swap3A_256 = arith.constant 11 : index
    %swap3A_257 = arith.constant 0 : index
    %swap3A_258 = arith.constant 0 : index
    %swap3A_259 = vector.load %arg1[%swap3A_256, %swap3A_257, %swap3A_258] : memref<14x160x128xf32, #tpu.memory_space<vmem>>, vector<1x160x128xf32>
    %swap3A_260 = vector.shape_cast %swap3A_259 : vector<1x160x128xf32> to vector<160x128xf32>
    %swap3A_261 = vector.shape_cast %mul3A_255 : vector<160x128xf32> to vector<1x160x128xf32>
    tpu.vector_store %arg1[%swap3A_256, %swap3A_257, %swap3A_258], %swap3A_261 {strides = array<i32>} : memref<14x160x128xf32, #tpu.memory_space<vmem>>, vector<1x160x128xf32>,
    %get3A_262 = arith.constant 17 : index
    %get3A_263 = arith.constant 0 : index
    %get3A_264 = arith.constant 0 : index
    %get3A_265 = vector.load %arg0[%get3A_262, %get3A_263, %get3A_264] : memref<19x160x128xf32, #tpu.memory_space<vmem>>, vector<1x160x128xf32>
    %get3A_266 = vector.shape_cast %get3A_265 : vector<1x160x128xf32> to vector<160x128xf32>
    %mul3A_267 = arith.mulf %get3A_33, %get3A_266 : vector<160x128xf32>
    %mul3A_268 = arith.constant 1.000000e-01 : f32
    %mul3A_269 = vector.broadcast %mul3A_268 : f32 to vector<160x128xf32>
    %mul3A_270 = arith.mulf %mul3A_267, %mul3A_269 : vector<160x128xf32>
    %add3A_271 = arith.addf %get3A_23, %mul3A_270 : vector<160x128xf32>
    %mul3A_272 = arith.constant 6.400000e+02 : f32
    %mul3A_273 = vector.broadcast %mul3A_272 : f32 to vector<160x128xf32>
    %mul3A_274 = arith.mulf %add3A_271, %mul3A_273 : vector<160x128xf32>
    %swap3A_275 = arith.constant 12 : index
    %swap3A_276 = arith.constant 0 : index
    %swap3A_277 = arith.constant 0 : index
    %swap3A_278 = vector.load %arg1[%swap3A_275, %swap3A_276, %swap3A_277] : memref<14x160x128xf32, #tpu.memory_space<vmem>>, vector<1x160x128xf32>
    %swap3A_279 = vector.shape_cast %swap3A_278 : vector<1x160x128xf32> to vector<160x128xf32>
    %swap3A_280 = vector.shape_cast %mul3A_274 : vector<160x128xf32> to vector<1x160x128xf32>
    tpu.vector_store %arg1[%swap3A_275, %swap3A_276, %swap3A_277], %swap3A_280 {strides = array<i32>} : memref<14x160x128xf32, #tpu.memory_space<vmem>>, vector<1x160x128xf32>,
    %get3A_281 = arith.constant 18 : index
    %get3A_282 = arith.constant 0 : index
    %get3A_283 = arith.constant 0 : index
    %get3A_284 = vector.load %arg0[%get3A_281, %get3A_282, %get3A_283] : memref<19x160x128xf32, #tpu.memory_space<vmem>>, vector<1x160x128xf32>
    %get3A_285 = vector.shape_cast %get3A_284 : vector<1x160x128xf32> to vector<160x128xf32>
    %mul3A_286 = arith.mulf %get3A_38, %get3A_285 : vector<160x128xf32>
    %mul3A_287 = arith.constant 1.000000e-01 : f32
    %mul3A_288 = vector.broadcast %mul3A_287 : f32 to vector<160x128xf32>
    %mul3A_289 = arith.mulf %mul3A_286, %mul3A_288 : vector<160x128xf32>
    %add3A_290 = arith.addf %get3A_28, %mul3A_289 : vector<160x128xf32>
    %mul3A_291 = arith.constant 6.400000e+02 : f32
    %mul3A_292 = vector.broadcast %mul3A_291 : f32 to vector<160x128xf32>
    %mul3A_293 = arith.mulf %add3A_290, %mul3A_292 : vector<160x128xf32>
    %swap3A_294 = arith.constant 13 : index
    %swap3A_295 = arith.constant 0 : index
    %swap3A_296 = arith.constant 0 : index
    %swap3A_297 = vector.load %arg1[%swap3A_294, %swap3A_295, %swap3A_296] : memref<14x160x128xf32, #tpu.memory_space<vmem>>, vector<1x160x128xf32>
    %swap3A_298 = vector.shape_cast %swap3A_297 : vector<1x160x128xf32> to vector<160x128xf32>
    %swap3A_299 = vector.shape_cast %mul3A_293 : vector<160x128xf32> to vector<1x160x128xf32>
    tpu.vector_store %arg1[%swap3A_294, %swap3A_295, %swap3A_296], %swap3A_299 {strides = array<i32>} : memref<14x160x128xf32, #tpu.memory_space<vmem>>, vector<1x160x128xf32>,
    %iota3A = tpu.iota {dimensions = array<i32: 0>} : vector<160x128xi32>
    %mul3A_300 = arith.constant 128 : i32
    %mul3A_301 = vector.broadcast %mul3A_300 : i32 to vector<160x128xi32>
    %mul3A_302 = arith.muli %iota3A, %mul3A_301 : vector<160x128xi32>
    %iota3A_303 = tpu.iota {dimensions = array<i32: 1>} : vector<160x128xi32>
    %add3A_304 = arith.addi %mul3A_302, %iota3A_303 : vector<160x128xi32>
    %iota3A_305 = tpu.iota {dimensions = array<i32: 1>} : vector<1x128xi32>
    %iota3A_306 = tpu.iota {dimensions = array<i32: 0>} : vector<8x128xi32>
    %mul3A_307 = arith.constant 128 : i32
    %mul3A_308 = vector.broadcast %mul3A_307 : i32 to vector<8x128xi32>
    %mul3A_309 = arith.muli %iota3A_306, %mul3A_308 : vector<8x128xi32>
    %iota3A_310 = tpu.iota {dimensions = array<i32: 1>} : vector<8x128xi32>
    %add3A_311 = arith.addi %mul3A_309, %iota3A_310 : vector<8x128xi32>
    %gt3A = arith.constant 5.000000e-01 : f32
    %gt3A_312 = vector.broadcast %gt3A : f32 to vector<160x128xf32>
    %gt3A_313 = arith.cmpf ogt, %get3A_43, %gt3A_312 : vector<160x128xf32>
    %jit3A = arith.constant 1073741824 : i32
    %broadcast_in_dim3A = vector.broadcast %jit3A : i32 to vector<160x128xi32>
    %select_n3A = arith.select %gt3A_313, %add3A_304, %broadcast_in_dim3A : vector<160x128xi1>, vector<160x128xi32>
    %swap3A_314 = arith.constant 0 : index
    %swap3A_315 = arith.constant 0 : index
    %swap3A_316 = vector.load %arg3[%swap3A_314, %swap3A_315] : memref<160x128xi32, #tpu.memory_space<vmem>>, vector<160x128xi32>
    tpu.vector_store %arg3[%swap3A_314, %swap3A_315], %select_n3A {strides = array<i32>} : memref<160x128xi32, #tpu.memory_space<vmem>>, vector<160x128xi32>,
    %broadcast_in_dim3A_317 = arith.constant 20000 : i32
    %broadcast_in_dim3A_318 = vector.broadcast %broadcast_in_dim3A_317 : i32 to vector<8x128xi32>
    %while3A = arith.constant 0 : i32
    %while3A_319 = arith.constant 0 : i32
    %while3A_320 = arith.constant 0 : i32
    %while3A_321:4 = scf.while (%while3A_325 = %while3A, %while3A_326 = %while3A_319, %while3A_327 = %while3A_320, %while3A_328 = %broadcast_in_dim3A_318) : (i32, i32, i32, vector<8x128xi32>) -> (i32, i32, i32, vector<8x128xi32>) {
      %lt3A = arith.constant 20 : i32
      %lt3A_329 = arith.cmpi slt, %while3A_325, %lt3A : i32
      %lt3A_330 = arith.constant 750 : i32
      %lt3A_331 = arith.cmpi slt, %while3A_326, %lt3A_330 : i32
      %and3A = arith.andi %lt3A_329, %lt3A_331 : i1
      scf.condition(%and3A) %while3A_325, %while3A_326, %while3A_327, %while3A_328 : i32, i32, i32, vector<8x128xi32>
    } do {
    ^bb0(%while3A_325: i32, %while3A_326: i32, %while3A_327: i32, %while3A_328: vector<8x128xi32>):
      %mul3A_329 = arith.constant 8 : i32
      %mul3A_330 = arith.muli %while3A_325, %mul3A_329 : i32
      %get3A_331 = arith.constant 0 : index
      %get3A_332 = arith.index_cast %mul3A_330 : i32 to index
      %get3A_333 = arith.constant 0 : index
      %get3A_334 = vector.load %arg1[%get3A_331, %get3A_332, %get3A_333] : memref<14x160x128xf32, #tpu.memory_space<vmem>>, vector<1x8x128xf32>
      %get3A_335 = vector.shape_cast %get3A_334 : vector<1x8x128xf32> to vector<8x128xf32>
      %get3A_336 = arith.constant 1 : index
      %get3A_337 = arith.index_cast %mul3A_330 : i32 to index
      %get3A_338 = arith.constant 0 : index
      %get3A_339 = vector.load %arg1[%get3A_336, %get3A_337, %get3A_338] : memref<14x160x128xf32, #tpu.memory_space<vmem>>, vector<1x8x128xf32>
      %get3A_340 = vector.shape_cast %get3A_339 : vector<1x8x128xf32> to vector<8x128xf32>
      %get3A_341 = arith.constant 2 : index
      %get3A_342 = arith.index_cast %mul3A_330 : i32 to index
      %get3A_343 = arith.constant 0 : index
      %get3A_344 = vector.load %arg1[%get3A_341, %get3A_342, %get3A_343] : memref<14x160x128xf32, #tpu.memory_space<vmem>>, vector<1x8x128xf32>
      %get3A_345 = vector.shape_cast %get3A_344 : vector<1x8x128xf32> to vector<8x128xf32>
      %get3A_346 = arith.constant 3 : index
      %get3A_347 = arith.index_cast %mul3A_330 : i32 to index
      %get3A_348 = arith.constant 0 : index
      %get3A_349 = vector.load %arg1[%get3A_346, %get3A_347, %get3A_348] : memref<14x160x128xf32, #tpu.memory_space<vmem>>, vector<1x8x128xf32>
      %get3A_350 = vector.shape_cast %get3A_349 : vector<1x8x128xf32> to vector<8x128xf32>
      %sub3A_351 = arith.subf %get3A_345, %get3A_335 : vector<8x128xf32>
      %max3A = arith.constant 0.000000e+00 : f32
      %max3A_352 = vector.broadcast %max3A : f32 to vector<8x128xf32>
      %max3A_353 = arith.maximumf %sub3A_351, %max3A_352 : vector<8x128xf32>
      %sub3A_354 = arith.subf %get3A_350, %get3A_340 : vector<8x128xf32>
      %max3A_355 = arith.constant 0.000000e+00 : f32
      %max3A_356 = vector.broadcast %max3A_355 : f32 to vector<8x128xf32>
      %max3A_357 = arith.maximumf %sub3A_354, %max3A_356 : vector<8x128xf32>
      %mul3A_358 = arith.mulf %max3A_353, %max3A_357 : vector<8x128xf32>
      %mul3A_359 = arith.constant 0.285714298 : f32
      %mul3A_360 = vector.broadcast %mul3A_359 : f32 to vector<8x128xf32>
      %mul3A_361 = arith.mulf %mul3A_358, %mul3A_360 : vector<8x128xf32>
      %add3A_362 = arith.constant 2.85714286E-10 : f32
      %add3A_363 = vector.broadcast %add3A_362 : f32 to vector<8x128xf32>
      %add3A_364 = arith.addf %mul3A_361, %add3A_363 : vector<8x128xf32>
      %add3A_365 = arith.constant 15 : i32
      %add3A_366 = arith.addi %while3A_327, %add3A_365 : i32
      %jit3A_367 = arith.constant 16 : i32
      %div3A_368 = arith.divsi %add3A_366, %jit3A_367 : i32
      %sign3A = arith.constant 0 : i32
      %sign3A_369 = arith.cmpi sgt, %add3A_366, %sign3A : i32
      %sign3A_370 = arith.extui %sign3A_369 : i1 to i32
      %sign3A_371 = arith.constant 0 : i32
      %sign3A_372 = arith.cmpi slt, %add3A_366, %sign3A_371 : i32
      %sign3A_373 = arith.extui %sign3A_372 : i1 to i32
      %sign3A_374 = arith.subi %sign3A_370, %sign3A_373 : i32
      %sign3A_375 = arith.constant 0 : i32
      %sign3A_376 = arith.cmpi sgt, %jit3A_367, %sign3A_375 : i32
      %sign3A_377 = arith.extui %sign3A_376 : i1 to i32
      %sign3A_378 = arith.constant 0 : i32
      %sign3A_379 = arith.cmpi slt, %jit3A_367, %sign3A_378 : i32
      %sign3A_380 = arith.extui %sign3A_379 : i1 to i32
      %sign3A_381 = arith.subi %sign3A_377, %sign3A_380 : i32
      %ne3A = arith.cmpi ne, %sign3A_374, %sign3A_381 : i32
      %rem3A = arith.remsi %add3A_366, %jit3A_367 : i32
      %ne3A_382 = arith.constant 0 : i32
      %ne3A_383 = arith.cmpi ne, %rem3A, %ne3A_382 : i32
      %and3A = arith.andi %ne3A, %ne3A_383 : i1
      %sub3A_384 = arith.constant 1 : i32
      %sub3A_385 = arith.subi %div3A_368, %sub3A_384 : i32
      %select_n3A_386 = arith.select %and3A, %sub3A_385, %div3A_368 : i32
      %get3A_387 = arith.index_cast %mul3A_330 : i32 to index
      %get3A_388 = arith.constant 0 : index
      %get3A_389 = vector.load %arg3[%get3A_387, %get3A_388] : memref<160x128xi32, #tpu.memory_space<vmem>>, vector<8x128xi32>
      %while3A_390 = arith.constant 0 : i32
      %while3A_391 = arith.subi %select_n3A_386, %while3A_390 : i32
      %while3A_392 = arith.addi %while3A_390, %while3A_391 : i32
      %while3A_393 = arith.constant 1 : i32
      %while3A_394 = arith.divsi %while3A_391, %while3A_393 : i32
      %while3A_395 = arith.muli %while3A_394, %while3A_393 : i32
      %while3A_396 = arith.addi %while3A_390, %while3A_395 : i32
      %while3A_397 = arith.constant 1 : i32
      %while3A_398 = scf.for %while3A_408 = %while3A_390 to %while3A_396 step %while3A_397 iter_args(%while3A_409 = %get3A_389) -> (vector<8x128xi32>)  : i32 {
        %mul3A_410 = arith.constant 16 : i32
        %mul3A_411 = arith.muli %mul3A_410, %while3A_408 : i32
        %add3A_412 = arith.constant 0 : i32
        %add3A_413 = arith.addi %mul3A_411, %add3A_412 : i32
        %sub3A_414 = arith.constant 1 : i32
        %sub3A_415 = arith.subi %while3A_327, %sub3A_414 : i32
        %min3A = arith.minsi %add3A_413, %sub3A_415 : i32
        %get3A_416 = arith.index_cast %min3A : i32 to index
        %get3A_417 = memref.load %arg4[%get3A_416] : memref<768xf32, #tpu.memory_space<smem>>
        %get3A_418 = arith.index_cast %min3A : i32 to index
        %get3A_419 = memref.load %arg5[%get3A_418] : memref<768xf32, #tpu.memory_space<smem>>
        %get3A_420 = arith.index_cast %min3A : i32 to index
        %get3A_421 = memref.load %arg6[%get3A_420] : memref<768xf32, #tpu.memory_space<smem>>
        %get3A_422 = arith.index_cast %min3A : i32 to index
        %get3A_423 = memref.load %arg7[%get3A_422] : memref<768xf32, #tpu.memory_space<smem>>
        %min3A_424 = vector.broadcast %get3A_421 : f32 to vector<8x128xf32>
        %min3A_425 = arith.minimumf %min3A_424, %get3A_345 : vector<8x128xf32>
        %max3A_426 = vector.broadcast %get3A_417 : f32 to vector<8x128xf32>
        %max3A_427 = arith.maximumf %max3A_426, %get3A_335 : vector<8x128xf32>
        %sub3A_428 = arith.subf %min3A_425, %max3A_427 : vector<8x128xf32>
        %max3A_429 = arith.constant 0.000000e+00 : f32
        %max3A_430 = vector.broadcast %max3A_429 : f32 to vector<8x128xf32>
        %max3A_431 = arith.maximumf %sub3A_428, %max3A_430 : vector<8x128xf32>
        %min3A_432 = vector.broadcast %get3A_423 : f32 to vector<8x128xf32>
        %min3A_433 = arith.minimumf %min3A_432, %get3A_350 : vector<8x128xf32>
        %max3A_434 = vector.broadcast %get3A_419 : f32 to vector<8x128xf32>
        %max3A_435 = arith.maximumf %max3A_434, %get3A_340 : vector<8x128xf32>
        %sub3A_436 = arith.subf %min3A_433, %max3A_435 : vector<8x128xf32>
        %max3A_437 = arith.constant 0.000000e+00 : f32
        %max3A_438 = vector.broadcast %max3A_437 : f32 to vector<8x128xf32>
        %max3A_439 = arith.maximumf %sub3A_436, %max3A_438 : vector<8x128xf32>
        %mul3A_440 = arith.mulf %max3A_431, %max3A_439 : vector<8x128xf32>
        %get3A_441 = arith.index_cast %min3A : i32 to index
        %get3A_442 = memref.load %arg8[%get3A_441] : memref<768xf32, #tpu.memory_space<smem>>
        %add3A_443 = vector.broadcast %get3A_442 : f32 to vector<8x128xf32>
        %add3A_444 = arith.addf %add3A_364, %add3A_443 : vector<8x128xf32>
        %gt3A_445 = arith.cmpf ogt, %mul3A_440, %add3A_444 : vector<8x128xf32>
        %jit3A_446 = arith.constant 1073741824 : i32
        %broadcast_in_dim3A_447 = vector.broadcast %jit3A_446 : i32 to vector<8x128xi32>
        %select_n3A_448 = arith.select %gt3A_445, %broadcast_in_dim3A_447, %while3A_409 : vector<8x128xi1>, vector<8x128xi32>
        %mul3A_449 = arith.constant 16 : i32
        %mul3A_450 = arith.muli %mul3A_449, %while3A_408 : i32
        %add3A_451 = arith.constant 1 : i32
        %add3A_452 = arith.addi %mul3A_450, %add3A_451 : i32
        %sub3A_453 = arith.constant 1 : i32
        %sub3A_454 = arith.subi %while3A_327, %sub3A_453 : i32
        %min3A_455 = arith.minsi %add3A_452, %sub3A_454 : i32
        %get3A_456 = arith.index_cast %min3A_455 : i32 to index
        %get3A_457 = memref.load %arg4[%get3A_456] : memref<768xf32, #tpu.memory_space<smem>>
        %get3A_458 = arith.index_cast %min3A_455 : i32 to index
        %get3A_459 = memref.load %arg5[%get3A_458] : memref<768xf32, #tpu.memory_space<smem>>
        %get3A_460 = arith.index_cast %min3A_455 : i32 to index
        %get3A_461 = memref.load %arg6[%get3A_460] : memref<768xf32, #tpu.memory_space<smem>>
        %get3A_462 = arith.index_cast %min3A_455 : i32 to index
        %get3A_463 = memref.load %arg7[%get3A_462] : memref<768xf32, #tpu.memory_space<smem>>
        %min3A_464 = vector.broadcast %get3A_461 : f32 to vector<8x128xf32>
        %min3A_465 = arith.minimumf %min3A_464, %get3A_345 : vector<8x128xf32>
        %max3A_466 = vector.broadcast %get3A_457 : f32 to vector<8x128xf32>
        %max3A_467 = arith.maximumf %max3A_466, %get3A_335 : vector<8x128xf32>
        %sub3A_468 = arith.subf %min3A_465, %max3A_467 : vector<8x128xf32>
        %max3A_469 = arith.constant 0.000000e+00 : f32
        %max3A_470 = vector.broadcast %max3A_469 : f32 to vector<8x128xf32>
        %max3A_471 = arith.maximumf %sub3A_468, %max3A_470 : vector<8x128xf32>
        %min3A_472 = vector.broadcast %get3A_463 : f32 to vector<8x128xf32>
        %min3A_473 = arith.minimumf %min3A_472, %get3A_350 : vector<8x128xf32>
        %max3A_474 = vector.broadcast %get3A_459 : f32 to vector<8x128xf32>
        %max3A_475 = arith.maximumf %max3A_474, %get3A_340 : vector<8x128xf32>
        %sub3A_476 = arith.subf %min3A_473, %max3A_475 : vector<8x128xf32>
        %max3A_477 = arith.constant 0.000000e+00 : f32
        %max3A_478 = vector.broadcast %max3A_477 : f32 to vector<8x128xf32>
        %max3A_479 = arith.maximumf %sub3A_476, %max3A_478 : vector<8x128xf32>
        %mul3A_480 = arith.mulf %max3A_471, %max3A_479 : vector<8x128xf32>
        %get3A_481 = arith.index_cast %min3A_455 : i32 to index
        %get3A_482 = memref.load %arg8[%get3A_481] : memref<768xf32, #tpu.memory_space<smem>>
        %add3A_483 = vector.broadcast %get3A_482 : f32 to vector<8x128xf32>
        %add3A_484 = arith.addf %add3A_364, %add3A_483 : vector<8x128xf32>
        %gt3A_485 = arith.cmpf ogt, %mul3A_480, %add3A_484 : vector<8x128xf32>
        %jit3A_486 = arith.constant 1073741824 : i32
        %broadcast_in_dim3A_487 = vector.broadcast %jit3A_486 : i32 to vector<8x128xi32>
        %select_n3A_488 = arith.select %gt3A_485, %broadcast_in_dim3A_487, %select_n3A_448 : vector<8x128xi1>, vector<8x128xi32>
        %mul3A_489 = arith.constant 16 : i32
        %mul3A_490 = arith.muli %mul3A_489, %while3A_408 : i32
        %add3A_491 = arith.constant 2 : i32
        %add3A_492 = arith.addi %mul3A_490, %add3A_491 : i32
        %sub3A_493 = arith.constant 1 : i32
        %sub3A_494 = arith.subi %while3A_327, %sub3A_493 : i32
        %min3A_495 = arith.minsi %add3A_492, %sub3A_494 : i32
        %get3A_496 = arith.index_cast %min3A_495 : i32 to index
        %get3A_497 = memref.load %arg4[%get3A_496] : memref<768xf32, #tpu.memory_space<smem>>
        %get3A_498 = arith.index_cast %min3A_495 : i32 to index
        %get3A_499 = memref.load %arg5[%get3A_498] : memref<768xf32, #tpu.memory_space<smem>>
        %get3A_500 = arith.index_cast %min3A_495 : i32 to index
        %get3A_501 = memref.load %arg6[%get3A_500] : memref<768xf32, #tpu.memory_space<smem>>
        %get3A_502 = arith.index_cast %min3A_495 : i32 to index
        %get3A_503 = memref.load %arg7[%get3A_502] : memref<768xf32, #tpu.memory_space<smem>>
        %min3A_504 = vector.broadcast %get3A_501 : f32 to vector<8x128xf32>
        %min3A_505 = arith.minimumf %min3A_504, %get3A_345 : vector<8x128xf32>
        %max3A_506 = vector.broadcast %get3A_497 : f32 to vector<8x128xf32>
        %max3A_507 = arith.maximumf %max3A_506, %get3A_335 : vector<8x128xf32>
        %sub3A_508 = arith.subf %min3A_505, %max3A_507 : vector<8x128xf32>
        %max3A_509 = arith.constant 0.000000e+00 : f32
        %max3A_510 = vector.broadcast %max3A_509 : f32 to vector<8x128xf32>
        %max3A_511 = arith.maximumf %sub3A_508, %max3A_510 : vector<8x128xf32>
        %min3A_512 = vector.broadcast %get3A_503 : f32 to vector<8x128xf32>
        %min3A_513 = arith.minimumf %min3A_512, %get3A_350 : vector<8x128xf32>
        %max3A_514 = vector.broadcast %get3A_499 : f32 to vector<8x128xf32>
        %max3A_515 = arith.maximumf %max3A_514, %get3A_340 : vector<8x128xf32>
        %sub3A_516 = arith.subf %min3A_513, %max3A_515 : vector<8x128xf32>
        %max3A_517 = arith.constant 0.000000e+00 : f32
        %max3A_518 = vector.broadcast %max3A_517 : f32 to vector<8x128xf32>
        %max3A_519 = arith.maximumf %sub3A_516, %max3A_518 : vector<8x128xf32>
        %mul3A_520 = arith.mulf %max3A_511, %max3A_519 : vector<8x128xf32>
        %get3A_521 = arith.index_cast %min3A_495 : i32 to index
        %get3A_522 = memref.load %arg8[%get3A_521] : memref<768xf32, #tpu.memory_space<smem>>
        %add3A_523 = vector.broadcast %get3A_522 : f32 to vector<8x128xf32>
        %add3A_524 = arith.addf %add3A_364, %add3A_523 : vector<8x128xf32>
        %gt3A_525 = arith.cmpf ogt, %mul3A_520, %add3A_524 : vector<8x128xf32>
        %jit3A_526 = arith.constant 1073741824 : i32
        %broadcast_in_dim3A_527 = vector.broadcast %jit3A_526 : i32 to vector<8x128xi32>
        %select_n3A_528 = arith.select %gt3A_525, %broadcast_in_dim3A_527, %select_n3A_488 : vector<8x128xi1>, vector<8x128xi32>
        %mul3A_529 = arith.constant 16 : i32
        %mul3A_530 = arith.muli %mul3A_529, %while3A_408 : i32
        %add3A_531 = arith.constant 3 : i32
        %add3A_532 = arith.addi %mul3A_530, %add3A_531 : i32
        %sub3A_533 = arith.constant 1 : i32
        %sub3A_534 = arith.subi %while3A_327, %sub3A_533 : i32
        %min3A_535 = arith.minsi %add3A_532, %sub3A_534 : i32
        %get3A_536 = arith.index_cast %min3A_535 : i32 to index
        %get3A_537 = memref.load %arg4[%get3A_536] : memref<768xf32, #tpu.memory_space<smem>>
        %get3A_538 = arith.index_cast %min3A_535 : i32 to index
        %get3A_539 = memref.load %arg5[%get3A_538] : memref<768xf32, #tpu.memory_space<smem>>
        %get3A_540 = arith.index_cast %min3A_535 : i32 to index
        %get3A_541 = memref.load %arg6[%get3A_540] : memref<768xf32, #tpu.memory_space<smem>>
        %get3A_542 = arith.index_cast %min3A_535 : i32 to index
        %get3A_543 = memref.load %arg7[%get3A_542] : memref<768xf32, #tpu.memory_space<smem>>
        %min3A_544 = vector.broadcast %get3A_541 : f32 to vector<8x128xf32>
        %min3A_545 = arith.minimumf %min3A_544, %get3A_345 : vector<8x128xf32>
        %max3A_546 = vector.broadcast %get3A_537 : f32 to vector<8x128xf32>
        %max3A_547 = arith.maximumf %max3A_546, %get3A_335 : vector<8x128xf32>
        %sub3A_548 = arith.subf %min3A_545, %max3A_547 : vector<8x128xf32>
        %max3A_549 = arith.constant 0.000000e+00 : f32
        %max3A_550 = vector.broadcast %max3A_549 : f32 to vector<8x128xf32>
        %max3A_551 = arith.maximumf %sub3A_548, %max3A_550 : vector<8x128xf32>
        %min3A_552 = vector.broadcast %get3A_543 : f32 to vector<8x128xf32>
        %min3A_553 = arith.minimumf %min3A_552, %get3A_350 : vector<8x128xf32>
        %max3A_554 = vector.broadcast %get3A_539 : f32 to vector<8x128xf32>
        %max3A_555 = arith.maximumf %max3A_554, %get3A_340 : vector<8x128xf32>
        %sub3A_556 = arith.subf %min3A_553, %max3A_555 : vector<8x128xf32>
        %max3A_557 = arith.constant 0.000000e+00 : f32
        %max3A_558 = vector.broadcast %max3A_557 : f32 to vector<8x128xf32>
        %max3A_559 = arith.maximumf %sub3A_556, %max3A_558 : vector<8x128xf32>
        %mul3A_560 = arith.mulf %max3A_551, %max3A_559 : vector<8x128xf32>
        %get3A_561 = arith.index_cast %min3A_535 : i32 to index
        %get3A_562 = memref.load %arg8[%get3A_561] : memref<768xf32, #tpu.memory_space<smem>>
        %add3A_563 = vector.broadcast %get3A_562 : f32 to vector<8x128xf32>
        %add3A_564 = arith.addf %add3A_364, %add3A_563 : vector<8x128xf32>
        %gt3A_565 = arith.cmpf ogt, %mul3A_560, %add3A_564 : vector<8x128xf32>
        %jit3A_566 = arith.constant 1073741824 : i32
        %broadcast_in_dim3A_567 = vector.broadcast %jit3A_566 : i32 to vector<8x128xi32>
        %select_n3A_568 = arith.select %gt3A_565, %broadcast_in_dim3A_567, %select_n3A_528 : vector<8x128xi1>, vector<8x128xi32>
        %mul3A_569 = arith.constant 16 : i32
        %mul3A_570 = arith.muli %mul3A_569, %while3A_408 : i32
        %add3A_571 = arith.constant 4 : i32
        %add3A_572 = arith.addi %mul3A_570, %add3A_571 : i32
        %sub3A_573 = arith.constant 1 : i32
        %sub3A_574 = arith.subi %while3A_327, %sub3A_573 : i32
        %min3A_575 = arith.minsi %add3A_572, %sub3A_574 : i32
        %get3A_576 = arith.index_cast %min3A_575 : i32 to index
        %get3A_577 = memref.load %arg4[%get3A_576] : memref<768xf32, #tpu.memory_space<smem>>
        %get3A_578 = arith.index_cast %min3A_575 : i32 to index
        %get3A_579 = memref.load %arg5[%get3A_578] : memref<768xf32, #tpu.memory_space<smem>>
        %get3A_580 = arith.index_cast %min3A_575 : i32 to index
        %get3A_581 = memref.load %arg6[%get3A_580] : memref<768xf32, #tpu.memory_space<smem>>
        %get3A_582 = arith.index_cast %min3A_575 : i32 to index
        %get3A_583 = memref.load %arg7[%get3A_582] : memref<768xf32, #tpu.memory_space<smem>>
        %min3A_584 = vector.broadcast %get3A_581 : f32 to vector<8x128xf32>
        %min3A_585 = arith.minimumf %min3A_584, %get3A_345 : vector<8x128xf32>
        %max3A_586 = vector.broadcast %get3A_577 : f32 to vector<8x128xf32>
        %max3A_587 = arith.maximumf %max3A_586, %get3A_335 : vector<8x128xf32>
        %sub3A_588 = arith.subf %min3A_585, %max3A_587 : vector<8x128xf32>
        %max3A_589 = arith.constant 0.000000e+00 : f32
        %max3A_590 = vector.broadcast %max3A_589 : f32 to vector<8x128xf32>
        %max3A_591 = arith.maximumf %sub3A_588, %max3A_590 : vector<8x128xf32>
        %min3A_592 = vector.broadcast %get3A_583 : f32 to vector<8x128xf32>
        %min3A_593 = arith.minimumf %min3A_592, %get3A_350 : vector<8x128xf32>
        %max3A_594 = vector.broadcast %get3A_579 : f32 to vector<8x128xf32>
        %max3A_595 = arith.maximumf %max3A_594, %get3A_340 : vector<8x128xf32>
        %sub3A_596 = arith.subf %min3A_593, %max3A_595 : vector<8x128xf32>
        %max3A_597 = arith.constant 0.000000e+00 : f32
        %max3A_598 = vector.broadcast %max3A_597 : f32 to vector<8x128xf32>
        %max3A_599 = arith.maximumf %sub3A_596, %max3A_598 : vector<8x128xf32>
        %mul3A_600 = arith.mulf %max3A_591, %max3A_599 : vector<8x128xf32>
        %get3A_601 = arith.index_cast %min3A_575 : i32 to index
        %get3A_602 = memref.load %arg8[%get3A_601] : memref<768xf32, #tpu.memory_space<smem>>
        %add3A_603 = vector.broadcast %get3A_602 : f32 to vector<8x128xf32>
        %add3A_604 = arith.addf %add3A_364, %add3A_603 : vector<8x128xf32>
        %gt3A_605 = arith.cmpf ogt, %mul3A_600, %add3A_604 : vector<8x128xf32>
        %jit3A_606 = arith.constant 1073741824 : i32
        %broadcast_in_dim3A_607 = vector.broadcast %jit3A_606 : i32 to vector<8x128xi32>
        %select_n3A_608 = arith.select %gt3A_605, %broadcast_in_dim3A_607, %select_n3A_568 : vector<8x128xi1>, vector<8x128xi32>
        %mul3A_609 = arith.constant 16 : i32
        %mul3A_610 = arith.muli %mul3A_609, %while3A_408 : i32
        %add3A_611 = arith.constant 5 : i32
        %add3A_612 = arith.addi %mul3A_610, %add3A_611 : i32
        %sub3A_613 = arith.constant 1 : i32
        %sub3A_614 = arith.subi %while3A_327, %sub3A_613 : i32
        %min3A_615 = arith.minsi %add3A_612, %sub3A_614 : i32
        %get3A_616 = arith.index_cast %min3A_615 : i32 to index
        %get3A_617 = memref.load %arg4[%get3A_616] : memref<768xf32, #tpu.memory_space<smem>>
        %get3A_618 = arith.index_cast %min3A_615 : i32 to index
        %get3A_619 = memref.load %arg5[%get3A_618] : memref<768xf32, #tpu.memory_space<smem>>
        %get3A_620 = arith.index_cast %min3A_615 : i32 to index
        %get3A_621 = memref.load %arg6[%get3A_620] : memref<768xf32, #tpu.memory_space<smem>>
        %get3A_622 = arith.index_cast %min3A_615 : i32 to index
        %get3A_623 = memref.load %arg7[%get3A_622] : memref<768xf32, #tpu.memory_space<smem>>
        %min3A_624 = vector.broadcast %get3A_621 : f32 to vector<8x128xf32>
        %min3A_625 = arith.minimumf %min3A_624, %get3A_345 : vector<8x128xf32>
        %max3A_626 = vector.broadcast %get3A_617 : f32 to vector<8x128xf32>
        %max3A_627 = arith.maximumf %max3A_626, %get3A_335 : vector<8x128xf32>
        %sub3A_628 = arith.subf %min3A_625, %max3A_627 : vector<8x128xf32>
        %max3A_629 = arith.constant 0.000000e+00 : f32
        %max3A_630 = vector.broadcast %max3A_629 : f32 to vector<8x128xf32>
        %max3A_631 = arith.maximumf %sub3A_628, %max3A_630 : vector<8x128xf32>
        %min3A_632 = vector.broadcast %get3A_623 : f32 to vector<8x128xf32>
        %min3A_633 = arith.minimumf %min3A_632, %get3A_350 : vector<8x128xf32>
        %max3A_634 = vector.broadcast %get3A_619 : f32 to vector<8x128xf32>
        %max3A_635 = arith.maximumf %max3A_634, %get3A_340 : vector<8x128xf32>
        %sub3A_636 = arith.subf %min3A_633, %max3A_635 : vector<8x128xf32>
        %max3A_637 = arith.constant 0.000000e+00 : f32
        %max3A_638 = vector.broadcast %max3A_637 : f32 to vector<8x128xf32>
        %max3A_639 = arith.maximumf %sub3A_636, %max3A_638 : vector<8x128xf32>
        %mul3A_640 = arith.mulf %max3A_631, %max3A_639 : vector<8x128xf32>
        %get3A_641 = arith.index_cast %min3A_615 : i32 to index
        %get3A_642 = memref.load %arg8[%get3A_641] : memref<768xf32, #tpu.memory_space<smem>>
        %add3A_643 = vector.broadcast %get3A_642 : f32 to vector<8x128xf32>
        %add3A_644 = arith.addf %add3A_364, %add3A_643 : vector<8x128xf32>
        %gt3A_645 = arith.cmpf ogt, %mul3A_640, %add3A_644 : vector<8x128xf32>
        %jit3A_646 = arith.constant 1073741824 : i32
        %broadcast_in_dim3A_647 = vector.broadcast %jit3A_646 : i32 to vector<8x128xi32>
        %select_n3A_648 = arith.select %gt3A_645, %broadcast_in_dim3A_647, %select_n3A_608 : vector<8x128xi1>, vector<8x128xi32>
        %mul3A_649 = arith.constant 16 : i32
        %mul3A_650 = arith.muli %mul3A_649, %while3A_408 : i32
        %add3A_651 = arith.constant 6 : i32
        %add3A_652 = arith.addi %mul3A_650, %add3A_651 : i32
        %sub3A_653 = arith.constant 1 : i32
        %sub3A_654 = arith.subi %while3A_327, %sub3A_653 : i32
        %min3A_655 = arith.minsi %add3A_652, %sub3A_654 : i32
        %get3A_656 = arith.index_cast %min3A_655 : i32 to index
        %get3A_657 = memref.load %arg4[%get3A_656] : memref<768xf32, #tpu.memory_space<smem>>
        %get3A_658 = arith.index_cast %min3A_655 : i32 to index
        %get3A_659 = memref.load %arg5[%get3A_658] : memref<768xf32, #tpu.memory_space<smem>>
        %get3A_660 = arith.index_cast %min3A_655 : i32 to index
        %get3A_661 = memref.load %arg6[%get3A_660] : memref<768xf32, #tpu.memory_space<smem>>
        %get3A_662 = arith.index_cast %min3A_655 : i32 to index
        %get3A_663 = memref.load %arg7[%get3A_662] : memref<768xf32, #tpu.memory_space<smem>>
        %min3A_664 = vector.broadcast %get3A_661 : f32 to vector<8x128xf32>
        %min3A_665 = arith.minimumf %min3A_664, %get3A_345 : vector<8x128xf32>
        %max3A_666 = vector.broadcast %get3A_657 : f32 to vector<8x128xf32>
        %max3A_667 = arith.maximumf %max3A_666, %get3A_335 : vector<8x128xf32>
        %sub3A_668 = arith.subf %min3A_665, %max3A_667 : vector<8x128xf32>
        %max3A_669 = arith.constant 0.000000e+00 : f32
        %max3A_670 = vector.broadcast %max3A_669 : f32 to vector<8x128xf32>
        %max3A_671 = arith.maximumf %sub3A_668, %max3A_670 : vector<8x128xf32>
        %min3A_672 = vector.broadcast %get3A_663 : f32 to vector<8x128xf32>
        %min3A_673 = arith.minimumf %min3A_672, %get3A_350 : vector<8x128xf32>
        %max3A_674 = vector.broadcast %get3A_659 : f32 to vector<8x128xf32>
        %max3A_675 = arith.maximumf %max3A_674, %get3A_340 : vector<8x128xf32>
        %sub3A_676 = arith.subf %min3A_673, %max3A_675 : vector<8x128xf32>
        %max3A_677 = arith.constant 0.000000e+00 : f32
        %max3A_678 = vector.broadcast %max3A_677 : f32 to vector<8x128xf32>
        %max3A_679 = arith.maximumf %sub3A_676, %max3A_678 : vector<8x128xf32>
        %mul3A_680 = arith.mulf %max3A_671, %max3A_679 : vector<8x128xf32>
        %get3A_681 = arith.index_cast %min3A_655 : i32 to index
        %get3A_682 = memref.load %arg8[%get3A_681] : memref<768xf32, #tpu.memory_space<smem>>
        %add3A_683 = vector.broadcast %get3A_682 : f32 to vector<8x128xf32>
        %add3A_684 = arith.addf %add3A_364, %add3A_683 : vector<8x128xf32>
        %gt3A_685 = arith.cmpf ogt, %mul3A_680, %add3A_684 : vector<8x128xf32>
        %jit3A_686 = arith.constant 1073741824 : i32
        %broadcast_in_dim3A_687 = vector.broadcast %jit3A_686 : i32 to vector<8x128xi32>
        %select_n3A_688 = arith.select %gt3A_685, %broadcast_in_dim3A_687, %select_n3A_648 : vector<8x128xi1>, vector<8x128xi32>
        %mul3A_689 = arith.constant 16 : i32
        %mul3A_690 = arith.muli %mul3A_689, %while3A_408 : i32
        %add3A_691 = arith.constant 7 : i32
        %add3A_692 = arith.addi %mul3A_690, %add3A_691 : i32
        %sub3A_693 = arith.constant 1 : i32
        %sub3A_694 = arith.subi %while3A_327, %sub3A_693 : i32
        %min3A_695 = arith.minsi %add3A_692, %sub3A_694 : i32
        %get3A_696 = arith.index_cast %min3A_695 : i32 to index
        %get3A_697 = memref.load %arg4[%get3A_696] : memref<768xf32, #tpu.memory_space<smem>>
        %get3A_698 = arith.index_cast %min3A_695 : i32 to index
        %get3A_699 = memref.load %arg5[%get3A_698] : memref<768xf32, #tpu.memory_space<smem>>
        %get3A_700 = arith.index_cast %min3A_695 : i32 to index
        %get3A_701 = memref.load %arg6[%get3A_700] : memref<768xf32, #tpu.memory_space<smem>>
        %get3A_702 = arith.index_cast %min3A_695 : i32 to index
        %get3A_703 = memref.load %arg7[%get3A_702] : memref<768xf32, #tpu.memory_space<smem>>
        %min3A_704 = vector.broadcast %get3A_701 : f32 to vector<8x128xf32>
        %min3A_705 = arith.minimumf %min3A_704, %get3A_345 : vector<8x128xf32>
        %max3A_706 = vector.broadcast %get3A_697 : f32 to vector<8x128xf32>
        %max3A_707 = arith.maximumf %max3A_706, %get3A_335 : vector<8x128xf32>
        %sub3A_708 = arith.subf %min3A_705, %max3A_707 : vector<8x128xf32>
        %max3A_709 = arith.constant 0.000000e+00 : f32
        %max3A_710 = vector.broadcast %max3A_709 : f32 to vector<8x128xf32>
        %max3A_711 = arith.maximumf %sub3A_708, %max3A_710 : vector<8x128xf32>
        %min3A_712 = vector.broadcast %get3A_703 : f32 to vector<8x128xf32>
        %min3A_713 = arith.minimumf %min3A_712, %get3A_350 : vector<8x128xf32>
        %max3A_714 = vector.broadcast %get3A_699 : f32 to vector<8x128xf32>
        %max3A_715 = arith.maximumf %max3A_714, %get3A_340 : vector<8x128xf32>
        %sub3A_716 = arith.subf %min3A_713, %max3A_715 : vector<8x128xf32>
        %max3A_717 = arith.constant 0.000000e+00 : f32
        %max3A_718 = vector.broadcast %max3A_717 : f32 to vector<8x128xf32>
        %max3A_719 = arith.maximumf %sub3A_716, %max3A_718 : vector<8x128xf32>
        %mul3A_720 = arith.mulf %max3A_711, %max3A_719 : vector<8x128xf32>
        %get3A_721 = arith.index_cast %min3A_695 : i32 to index
        %get3A_722 = memref.load %arg8[%get3A_721] : memref<768xf32, #tpu.memory_space<smem>>
        %add3A_723 = vector.broadcast %get3A_722 : f32 to vector<8x128xf32>
        %add3A_724 = arith.addf %add3A_364, %add3A_723 : vector<8x128xf32>
        %gt3A_725 = arith.cmpf ogt, %mul3A_720, %add3A_724 : vector<8x128xf32>
        %jit3A_726 = arith.constant 1073741824 : i32
        %broadcast_in_dim3A_727 = vector.broadcast %jit3A_726 : i32 to vector<8x128xi32>
        %select_n3A_728 = arith.select %gt3A_725, %broadcast_in_dim3A_727, %select_n3A_688 : vector<8x128xi1>, vector<8x128xi32>
        %mul3A_729 = arith.constant 16 : i32
        %mul3A_730 = arith.muli %mul3A_729, %while3A_408 : i32
        %add3A_731 = arith.constant 8 : i32
        %add3A_732 = arith.addi %mul3A_730, %add3A_731 : i32
        %sub3A_733 = arith.constant 1 : i32
        %sub3A_734 = arith.subi %while3A_327, %sub3A_733 : i32
        %min3A_735 = arith.minsi %add3A_732, %sub3A_734 : i32
        %get3A_736 = arith.index_cast %min3A_735 : i32 to index
        %get3A_737 = memref.load %arg4[%get3A_736] : memref<768xf32, #tpu.memory_space<smem>>
        %get3A_738 = arith.index_cast %min3A_735 : i32 to index
        %get3A_739 = memref.load %arg5[%get3A_738] : memref<768xf32, #tpu.memory_space<smem>>
        %get3A_740 = arith.index_cast %min3A_735 : i32 to index
        %get3A_741 = memref.load %arg6[%get3A_740] : memref<768xf32, #tpu.memory_space<smem>>
        %get3A_742 = arith.index_cast %min3A_735 : i32 to index
        %get3A_743 = memref.load %arg7[%get3A_742] : memref<768xf32, #tpu.memory_space<smem>>
        %min3A_744 = vector.broadcast %get3A_741 : f32 to vector<8x128xf32>
        %min3A_745 = arith.minimumf %min3A_744, %get3A_345 : vector<8x128xf32>
        %max3A_746 = vector.broadcast %get3A_737 : f32 to vector<8x128xf32>
        %max3A_747 = arith.maximumf %max3A_746, %get3A_335 : vector<8x128xf32>
        %sub3A_748 = arith.subf %min3A_745, %max3A_747 : vector<8x128xf32>
        %max3A_749 = arith.constant 0.000000e+00 : f32
        %max3A_750 = vector.broadcast %max3A_749 : f32 to vector<8x128xf32>
        %max3A_751 = arith.maximumf %sub3A_748, %max3A_750 : vector<8x128xf32>
        %min3A_752 = vector.broadcast %get3A_743 : f32 to vector<8x128xf32>
        %min3A_753 = arith.minimumf %min3A_752, %get3A_350 : vector<8x128xf32>
        %max3A_754 = vector.broadcast %get3A_739 : f32 to vector<8x128xf32>
        %max3A_755 = arith.maximumf %max3A_754, %get3A_340 : vector<8x128xf32>
        %sub3A_756 = arith.subf %min3A_753, %max3A_755 : vector<8x128xf32>
        %max3A_757 = arith.constant 0.000000e+00 : f32
        %max3A_758 = vector.broadcast %max3A_757 : f32 to vector<8x128xf32>
        %max3A_759 = arith.maximumf %sub3A_756, %max3A_758 : vector<8x128xf32>
        %mul3A_760 = arith.mulf %max3A_751, %max3A_759 : vector<8x128xf32>
        %get3A_761 = arith.index_cast %min3A_735 : i32 to index
        %get3A_762 = memref.load %arg8[%get3A_761] : memref<768xf32, #tpu.memory_space<smem>>
        %add3A_763 = vector.broadcast %get3A_762 : f32 to vector<8x128xf32>
        %add3A_764 = arith.addf %add3A_364, %add3A_763 : vector<8x128xf32>
        %gt3A_765 = arith.cmpf ogt, %mul3A_760, %add3A_764 : vector<8x128xf32>
        %jit3A_766 = arith.constant 1073741824 : i32
        %broadcast_in_dim3A_767 = vector.broadcast %jit3A_766 : i32 to vector<8x128xi32>
        %select_n3A_768 = arith.select %gt3A_765, %broadcast_in_dim3A_767, %select_n3A_728 : vector<8x128xi1>, vector<8x128xi32>
        %mul3A_769 = arith.constant 16 : i32
        %mul3A_770 = arith.muli %mul3A_769, %while3A_408 : i32
        %add3A_771 = arith.constant 9 : i32
        %add3A_772 = arith.addi %mul3A_770, %add3A_771 : i32
        %sub3A_773 = arith.constant 1 : i32
        %sub3A_774 = arith.subi %while3A_327, %sub3A_773 : i32
        %min3A_775 = arith.minsi %add3A_772, %sub3A_774 : i32
        %get3A_776 = arith.index_cast %min3A_775 : i32 to index
        %get3A_777 = memref.load %arg4[%get3A_776] : memref<768xf32, #tpu.memory_space<smem>>
        %get3A_778 = arith.index_cast %min3A_775 : i32 to index
        %get3A_779 = memref.load %arg5[%get3A_778] : memref<768xf32, #tpu.memory_space<smem>>
        %get3A_780 = arith.index_cast %min3A_775 : i32 to index
        %get3A_781 = memref.load %arg6[%get3A_780] : memref<768xf32, #tpu.memory_space<smem>>
        %get3A_782 = arith.index_cast %min3A_775 : i32 to index
        %get3A_783 = memref.load %arg7[%get3A_782] : memref<768xf32, #tpu.memory_space<smem>>
        %min3A_784 = vector.broadcast %get3A_781 : f32 to vector<8x128xf32>
        %min3A_785 = arith.minimumf %min3A_784, %get3A_345 : vector<8x128xf32>
        %max3A_786 = vector.broadcast %get3A_777 : f32 to vector<8x128xf32>
        %max3A_787 = arith.maximumf %max3A_786, %get3A_335 : vector<8x128xf32>
        %sub3A_788 = arith.subf %min3A_785, %max3A_787 : vector<8x128xf32>
        %max3A_789 = arith.constant 0.000000e+00 : f32
        %max3A_790 = vector.broadcast %max3A_789 : f32 to vector<8x128xf32>
        %max3A_791 = arith.maximumf %sub3A_788, %max3A_790 : vector<8x128xf32>
        %min3A_792 = vector.broadcast %get3A_783 : f32 to vector<8x128xf32>
        %min3A_793 = arith.minimumf %min3A_792, %get3A_350 : vector<8x128xf32>
        %max3A_794 = vector.broadcast %get3A_779 : f32 to vector<8x128xf32>
        %max3A_795 = arith.maximumf %max3A_794, %get3A_340 : vector<8x128xf32>
        %sub3A_796 = arith.subf %min3A_793, %max3A_795 : vector<8x128xf32>
        %max3A_797 = arith.constant 0.000000e+00 : f32
        %max3A_798 = vector.broadcast %max3A_797 : f32 to vector<8x128xf32>
        %max3A_799 = arith.maximumf %sub3A_796, %max3A_798 : vector<8x128xf32>
        %mul3A_800 = arith.mulf %max3A_791, %max3A_799 : vector<8x128xf32>
        %get3A_801 = arith.index_cast %min3A_775 : i32 to index
        %get3A_802 = memref.load %arg8[%get3A_801] : memref<768xf32, #tpu.memory_space<smem>>
        %add3A_803 = vector.broadcast %get3A_802 : f32 to vector<8x128xf32>
        %add3A_804 = arith.addf %add3A_364, %add3A_803 : vector<8x128xf32>
        %gt3A_805 = arith.cmpf ogt, %mul3A_800, %add3A_804 : vector<8x128xf32>
        %jit3A_806 = arith.constant 1073741824 : i32
        %broadcast_in_dim3A_807 = vector.broadcast %jit3A_806 : i32 to vector<8x128xi32>
        %select_n3A_808 = arith.select %gt3A_805, %broadcast_in_dim3A_807, %select_n3A_768 : vector<8x128xi1>, vector<8x128xi32>
        %mul3A_809 = arith.constant 16 : i32
        %mul3A_810 = arith.muli %mul3A_809, %while3A_408 : i32
        %add3A_811 = arith.constant 10 : i32
        %add3A_812 = arith.addi %mul3A_810, %add3A_811 : i32
        %sub3A_813 = arith.constant 1 : i32
        %sub3A_814 = arith.subi %while3A_327, %sub3A_813 : i32
        %min3A_815 = arith.minsi %add3A_812, %sub3A_814 : i32
        %get3A_816 = arith.index_cast %min3A_815 : i32 to index
        %get3A_817 = memref.load %arg4[%get3A_816] : memref<768xf32, #tpu.memory_space<smem>>
        %get3A_818 = arith.index_cast %min3A_815 : i32 to index
        %get3A_819 = memref.load %arg5[%get3A_818] : memref<768xf32, #tpu.memory_space<smem>>
        %get3A_820 = arith.index_cast %min3A_815 : i32 to index
        %get3A_821 = memref.load %arg6[%get3A_820] : memref<768xf32, #tpu.memory_space<smem>>
        %get3A_822 = arith.index_cast %min3A_815 : i32 to index
        %get3A_823 = memref.load %arg7[%get3A_822] : memref<768xf32, #tpu.memory_space<smem>>
        %min3A_824 = vector.broadcast %get3A_821 : f32 to vector<8x128xf32>
        %min3A_825 = arith.minimumf %min3A_824, %get3A_345 : vector<8x128xf32>
        %max3A_826 = vector.broadcast %get3A_817 : f32 to vector<8x128xf32>
        %max3A_827 = arith.maximumf %max3A_826, %get3A_335 : vector<8x128xf32>
        %sub3A_828 = arith.subf %min3A_825, %max3A_827 : vector<8x128xf32>
        %max3A_829 = arith.constant 0.000000e+00 : f32
        %max3A_830 = vector.broadcast %max3A_829 : f32 to vector<8x128xf32>
        %max3A_831 = arith.maximumf %sub3A_828, %max3A_830 : vector<8x128xf32>
        %min3A_832 = vector.broadcast %get3A_823 : f32 to vector<8x128xf32>
        %min3A_833 = arith.minimumf %min3A_832, %get3A_350 : vector<8x128xf32>
        %max3A_834 = vector.broadcast %get3A_819 : f32 to vector<8x128xf32>
        %max3A_835 = arith.maximumf %max3A_834, %get3A_340 : vector<8x128xf32>
        %sub3A_836 = arith.subf %min3A_833, %max3A_835 : vector<8x128xf32>
        %max3A_837 = arith.constant 0.000000e+00 : f32
        %max3A_838 = vector.broadcast %max3A_837 : f32 to vector<8x128xf32>
        %max3A_839 = arith.maximumf %sub3A_836, %max3A_838 : vector<8x128xf32>
        %mul3A_840 = arith.mulf %max3A_831, %max3A_839 : vector<8x128xf32>
        %get3A_841 = arith.index_cast %min3A_815 : i32 to index
        %get3A_842 = memref.load %arg8[%get3A_841] : memref<768xf32, #tpu.memory_space<smem>>
        %add3A_843 = vector.broadcast %get3A_842 : f32 to vector<8x128xf32>
        %add3A_844 = arith.addf %add3A_364, %add3A_843 : vector<8x128xf32>
        %gt3A_845 = arith.cmpf ogt, %mul3A_840, %add3A_844 : vector<8x128xf32>
        %jit3A_846 = arith.constant 1073741824 : i32
        %broadcast_in_dim3A_847 = vector.broadcast %jit3A_846 : i32 to vector<8x128xi32>
        %select_n3A_848 = arith.select %gt3A_845, %broadcast_in_dim3A_847, %select_n3A_808 : vector<8x128xi1>, vector<8x128xi32>
        %mul3A_849 = arith.constant 16 : i32
        %mul3A_850 = arith.muli %mul3A_849, %while3A_408 : i32
        %add3A_851 = arith.constant 11 : i32
        %add3A_852 = arith.addi %mul3A_850, %add3A_851 : i32
        %sub3A_853 = arith.constant 1 : i32
        %sub3A_854 = arith.subi %while3A_327, %sub3A_853 : i32
        %min3A_855 = arith.minsi %add3A_852, %sub3A_854 : i32
        %get3A_856 = arith.index_cast %min3A_855 : i32 to index
        %get3A_857 = memref.load %arg4[%get3A_856] : memref<768xf32, #tpu.memory_space<smem>>
        %get3A_858 = arith.index_cast %min3A_855 : i32 to index
        %get3A_859 = memref.load %arg5[%get3A_858] : memref<768xf32, #tpu.memory_space<smem>>
        %get3A_860 = arith.index_cast %min3A_855 : i32 to index
        %get3A_861 = memref.load %arg6[%get3A_860] : memref<768xf32, #tpu.memory_space<smem>>
        %get3A_862 = arith.index_cast %min3A_855 : i32 to index
        %get3A_863 = memref.load %arg7[%get3A_862] : memref<768xf32, #tpu.memory_space<smem>>
        %min3A_864 = vector.broadcast %get3A_861 : f32 to vector<8x128xf32>
        %min3A_865 = arith.minimumf %min3A_864, %get3A_345 : vector<8x128xf32>
        %max3A_866 = vector.broadcast %get3A_857 : f32 to vector<8x128xf32>
        %max3A_867 = arith.maximumf %max3A_866, %get3A_335 : vector<8x128xf32>
        %sub3A_868 = arith.subf %min3A_865, %max3A_867 : vector<8x128xf32>
        %max3A_869 = arith.constant 0.000000e+00 : f32
        %max3A_870 = vector.broadcast %max3A_869 : f32 to vector<8x128xf32>
        %max3A_871 = arith.maximumf %sub3A_868, %max3A_870 : vector<8x128xf32>
        %min3A_872 = vector.broadcast %get3A_863 : f32 to vector<8x128xf32>
        %min3A_873 = arith.minimumf %min3A_872, %get3A_350 : vector<8x128xf32>
        %max3A_874 = vector.broadcast %get3A_859 : f32 to vector<8x128xf32>
        %max3A_875 = arith.maximumf %max3A_874, %get3A_340 : vector<8x128xf32>
        %sub3A_876 = arith.subf %min3A_873, %max3A_875 : vector<8x128xf32>
        %max3A_877 = arith.constant 0.000000e+00 : f32
        %max3A_878 = vector.broadcast %max3A_877 : f32 to vector<8x128xf32>
        %max3A_879 = arith.maximumf %sub3A_876, %max3A_878 : vector<8x128xf32>
        %mul3A_880 = arith.mulf %max3A_871, %max3A_879 : vector<8x128xf32>
        %get3A_881 = arith.index_cast %min3A_855 : i32 to index
        %get3A_882 = memref.load %arg8[%get3A_881] : memref<768xf32, #tpu.memory_space<smem>>
        %add3A_883 = vector.broadcast %get3A_882 : f32 to vector<8x128xf32>
        %add3A_884 = arith.addf %add3A_364, %add3A_883 : vector<8x128xf32>
        %gt3A_885 = arith.cmpf ogt, %mul3A_880, %add3A_884 : vector<8x128xf32>
        %jit3A_886 = arith.constant 1073741824 : i32
        %broadcast_in_dim3A_887 = vector.broadcast %jit3A_886 : i32 to vector<8x128xi32>
        %select_n3A_888 = arith.select %gt3A_885, %broadcast_in_dim3A_887, %select_n3A_848 : vector<8x128xi1>, vector<8x128xi32>
        %mul3A_889 = arith.constant 16 : i32
        %mul3A_890 = arith.muli %mul3A_889, %while3A_408 : i32
        %add3A_891 = arith.constant 12 : i32
        %add3A_892 = arith.addi %mul3A_890, %add3A_891 : i32
        %sub3A_893 = arith.constant 1 : i32
        %sub3A_894 = arith.subi %while3A_327, %sub3A_893 : i32
        %min3A_895 = arith.minsi %add3A_892, %sub3A_894 : i32
        %get3A_896 = arith.index_cast %min3A_895 : i32 to index
        %get3A_897 = memref.load %arg4[%get3A_896] : memref<768xf32, #tpu.memory_space<smem>>
        %get3A_898 = arith.index_cast %min3A_895 : i32 to index
        %get3A_899 = memref.load %arg5[%get3A_898] : memref<768xf32, #tpu.memory_space<smem>>
        %get3A_900 = arith.index_cast %min3A_895 : i32 to index
        %get3A_901 = memref.load %arg6[%get3A_900] : memref<768xf32, #tpu.memory_space<smem>>
        %get3A_902 = arith.index_cast %min3A_895 : i32 to index
        %get3A_903 = memref.load %arg7[%get3A_902] : memref<768xf32, #tpu.memory_space<smem>>
        %min3A_904 = vector.broadcast %get3A_901 : f32 to vector<8x128xf32>
        %min3A_905 = arith.minimumf %min3A_904, %get3A_345 : vector<8x128xf32>
        %max3A_906 = vector.broadcast %get3A_897 : f32 to vector<8x128xf32>
        %max3A_907 = arith.maximumf %max3A_906, %get3A_335 : vector<8x128xf32>
        %sub3A_908 = arith.subf %min3A_905, %max3A_907 : vector<8x128xf32>
        %max3A_909 = arith.constant 0.000000e+00 : f32
        %max3A_910 = vector.broadcast %max3A_909 : f32 to vector<8x128xf32>
        %max3A_911 = arith.maximumf %sub3A_908, %max3A_910 : vector<8x128xf32>
        %min3A_912 = vector.broadcast %get3A_903 : f32 to vector<8x128xf32>
        %min3A_913 = arith.minimumf %min3A_912, %get3A_350 : vector<8x128xf32>
        %max3A_914 = vector.broadcast %get3A_899 : f32 to vector<8x128xf32>
        %max3A_915 = arith.maximumf %max3A_914, %get3A_340 : vector<8x128xf32>
        %sub3A_916 = arith.subf %min3A_913, %max3A_915 : vector<8x128xf32>
        %max3A_917 = arith.constant 0.000000e+00 : f32
        %max3A_918 = vector.broadcast %max3A_917 : f32 to vector<8x128xf32>
        %max3A_919 = arith.maximumf %sub3A_916, %max3A_918 : vector<8x128xf32>
        %mul3A_920 = arith.mulf %max3A_911, %max3A_919 : vector<8x128xf32>
        %get3A_921 = arith.index_cast %min3A_895 : i32 to index
        %get3A_922 = memref.load %arg8[%get3A_921] : memref<768xf32, #tpu.memory_space<smem>>
        %add3A_923 = vector.broadcast %get3A_922 : f32 to vector<8x128xf32>
        %add3A_924 = arith.addf %add3A_364, %add3A_923 : vector<8x128xf32>
        %gt3A_925 = arith.cmpf ogt, %mul3A_920, %add3A_924 : vector<8x128xf32>
        %jit3A_926 = arith.constant 1073741824 : i32
        %broadcast_in_dim3A_927 = vector.broadcast %jit3A_926 : i32 to vector<8x128xi32>
        %select_n3A_928 = arith.select %gt3A_925, %broadcast_in_dim3A_927, %select_n3A_888 : vector<8x128xi1>, vector<8x128xi32>
        %mul3A_929 = arith.constant 16 : i32
        %mul3A_930 = arith.muli %mul3A_929, %while3A_408 : i32
        %add3A_931 = arith.constant 13 : i32
        %add3A_932 = arith.addi %mul3A_930, %add3A_931 : i32
        %sub3A_933 = arith.constant 1 : i32
        %sub3A_934 = arith.subi %while3A_327, %sub3A_933 : i32
        %min3A_935 = arith.minsi %add3A_932, %sub3A_934 : i32
        %get3A_936 = arith.index_cast %min3A_935 : i32 to index
        %get3A_937 = memref.load %arg4[%get3A_936] : memref<768xf32, #tpu.memory_space<smem>>
        %get3A_938 = arith.index_cast %min3A_935 : i32 to index
        %get3A_939 = memref.load %arg5[%get3A_938] : memref<768xf32, #tpu.memory_space<smem>>
        %get3A_940 = arith.index_cast %min3A_935 : i32 to index
        %get3A_941 = memref.load %arg6[%get3A_940] : memref<768xf32, #tpu.memory_space<smem>>
        %get3A_942 = arith.index_cast %min3A_935 : i32 to index
        %get3A_943 = memref.load %arg7[%get3A_942] : memref<768xf32, #tpu.memory_space<smem>>
        %min3A_944 = vector.broadcast %get3A_941 : f32 to vector<8x128xf32>
        %min3A_945 = arith.minimumf %min3A_944, %get3A_345 : vector<8x128xf32>
        %max3A_946 = vector.broadcast %get3A_937 : f32 to vector<8x128xf32>
        %max3A_947 = arith.maximumf %max3A_946, %get3A_335 : vector<8x128xf32>
        %sub3A_948 = arith.subf %min3A_945, %max3A_947 : vector<8x128xf32>
        %max3A_949 = arith.constant 0.000000e+00 : f32
        %max3A_950 = vector.broadcast %max3A_949 : f32 to vector<8x128xf32>
        %max3A_951 = arith.maximumf %sub3A_948, %max3A_950 : vector<8x128xf32>
        %min3A_952 = vector.broadcast %get3A_943 : f32 to vector<8x128xf32>
        %min3A_953 = arith.minimumf %min3A_952, %get3A_350 : vector<8x128xf32>
        %max3A_954 = vector.broadcast %get3A_939 : f32 to vector<8x128xf32>
        %max3A_955 = arith.maximumf %max3A_954, %get3A_340 : vector<8x128xf32>
        %sub3A_956 = arith.subf %min3A_953, %max3A_955 : vector<8x128xf32>
        %max3A_957 = arith.constant 0.000000e+00 : f32
        %max3A_958 = vector.broadcast %max3A_957 : f32 to vector<8x128xf32>
        %max3A_959 = arith.maximumf %sub3A_956, %max3A_958 : vector<8x128xf32>
        %mul3A_960 = arith.mulf %max3A_951, %max3A_959 : vector<8x128xf32>
        %get3A_961 = arith.index_cast %min3A_935 : i32 to index
        %get3A_962 = memref.load %arg8[%get3A_961] : memref<768xf32, #tpu.memory_space<smem>>
        %add3A_963 = vector.broadcast %get3A_962 : f32 to vector<8x128xf32>
        %add3A_964 = arith.addf %add3A_364, %add3A_963 : vector<8x128xf32>
        %gt3A_965 = arith.cmpf ogt, %mul3A_960, %add3A_964 : vector<8x128xf32>
        %jit3A_966 = arith.constant 1073741824 : i32
        %broadcast_in_dim3A_967 = vector.broadcast %jit3A_966 : i32 to vector<8x128xi32>
        %select_n3A_968 = arith.select %gt3A_965, %broadcast_in_dim3A_967, %select_n3A_928 : vector<8x128xi1>, vector<8x128xi32>
        %mul3A_969 = arith.constant 16 : i32
        %mul3A_970 = arith.muli %mul3A_969, %while3A_408 : i32
        %add3A_971 = arith.constant 14 : i32
        %add3A_972 = arith.addi %mul3A_970, %add3A_971 : i32
        %sub3A_973 = arith.constant 1 : i32
        %sub3A_974 = arith.subi %while3A_327, %sub3A_973 : i32
        %min3A_975 = arith.minsi %add3A_972, %sub3A_974 : i32
        %get3A_976 = arith.index_cast %min3A_975 : i32 to index
        %get3A_977 = memref.load %arg4[%get3A_976] : memref<768xf32, #tpu.memory_space<smem>>
        %get3A_978 = arith.index_cast %min3A_975 : i32 to index
        %get3A_979 = memref.load %arg5[%get3A_978] : memref<768xf32, #tpu.memory_space<smem>>
        %get3A_980 = arith.index_cast %min3A_975 : i32 to index
        %get3A_981 = memref.load %arg6[%get3A_980] : memref<768xf32, #tpu.memory_space<smem>>
        %get3A_982 = arith.index_cast %min3A_975 : i32 to index
        %get3A_983 = memref.load %arg7[%get3A_982] : memref<768xf32, #tpu.memory_space<smem>>
        %min3A_984 = vector.broadcast %get3A_981 : f32 to vector<8x128xf32>
        %min3A_985 = arith.minimumf %min3A_984, %get3A_345 : vector<8x128xf32>
        %max3A_986 = vector.broadcast %get3A_977 : f32 to vector<8x128xf32>
        %max3A_987 = arith.maximumf %max3A_986, %get3A_335 : vector<8x128xf32>
        %sub3A_988 = arith.subf %min3A_985, %max3A_987 : vector<8x128xf32>
        %max3A_989 = arith.constant 0.000000e+00 : f32
        %max3A_990 = vector.broadcast %max3A_989 : f32 to vector<8x128xf32>
        %max3A_991 = arith.maximumf %sub3A_988, %max3A_990 : vector<8x128xf32>
        %min3A_992 = vector.broadcast %get3A_983 : f32 to vector<8x128xf32>
        %min3A_993 = arith.minimumf %min3A_992, %get3A_350 : vector<8x128xf32>
        %max3A_994 = vector.broadcast %get3A_979 : f32 to vector<8x128xf32>
        %max3A_995 = arith.maximumf %max3A_994, %get3A_340 : vector<8x128xf32>
        %sub3A_996 = arith.subf %min3A_993, %max3A_995 : vector<8x128xf32>
        %max3A_997 = arith.constant 0.000000e+00 : f32
        %max3A_998 = vector.broadcast %max3A_997 : f32 to vector<8x128xf32>
        %max3A_999 = arith.maximumf %sub3A_996, %max3A_998 : vector<8x128xf32>
        %mul3A_1000 = arith.mulf %max3A_991, %max3A_999 : vector<8x128xf32>
        %get3A_1001 = arith.index_cast %min3A_975 : i32 to index
        %get3A_1002 = memref.load %arg8[%get3A_1001] : memref<768xf32, #tpu.memory_space<smem>>
        %add3A_1003 = vector.broadcast %get3A_1002 : f32 to vector<8x128xf32>
        %add3A_1004 = arith.addf %add3A_364, %add3A_1003 : vector<8x128xf32>
        %gt3A_1005 = arith.cmpf ogt, %mul3A_1000, %add3A_1004 : vector<8x128xf32>
        %jit3A_1006 = arith.constant 1073741824 : i32
        %broadcast_in_dim3A_1007 = vector.broadcast %jit3A_1006 : i32 to vector<8x128xi32>
        %select_n3A_1008 = arith.select %gt3A_1005, %broadcast_in_dim3A_1007, %select_n3A_968 : vector<8x128xi1>, vector<8x128xi32>
        %mul3A_1009 = arith.constant 16 : i32
        %mul3A_1010 = arith.muli %mul3A_1009, %while3A_408 : i32
        %add3A_1011 = arith.constant 15 : i32
        %add3A_1012 = arith.addi %mul3A_1010, %add3A_1011 : i32
        %sub3A_1013 = arith.constant 1 : i32
        %sub3A_1014 = arith.subi %while3A_327, %sub3A_1013 : i32
        %min3A_1015 = arith.minsi %add3A_1012, %sub3A_1014 : i32
        %get3A_1016 = arith.index_cast %min3A_1015 : i32 to index
        %get3A_1017 = memref.load %arg4[%get3A_1016] : memref<768xf32, #tpu.memory_space<smem>>
        %get3A_1018 = arith.index_cast %min3A_1015 : i32 to index
        %get3A_1019 = memref.load %arg5[%get3A_1018] : memref<768xf32, #tpu.memory_space<smem>>
        %get3A_1020 = arith.index_cast %min3A_1015 : i32 to index
        %get3A_1021 = memref.load %arg6[%get3A_1020] : memref<768xf32, #tpu.memory_space<smem>>
        %get3A_1022 = arith.index_cast %min3A_1015 : i32 to index
        %get3A_1023 = memref.load %arg7[%get3A_1022] : memref<768xf32, #tpu.memory_space<smem>>
        %min3A_1024 = vector.broadcast %get3A_1021 : f32 to vector<8x128xf32>
        %min3A_1025 = arith.minimumf %min3A_1024, %get3A_345 : vector<8x128xf32>
        %max3A_1026 = vector.broadcast %get3A_1017 : f32 to vector<8x128xf32>
        %max3A_1027 = arith.maximumf %max3A_1026, %get3A_335 : vector<8x128xf32>
        %sub3A_1028 = arith.subf %min3A_1025, %max3A_1027 : vector<8x128xf32>
        %max3A_1029 = arith.constant 0.000000e+00 : f32
        %max3A_1030 = vector.broadcast %max3A_1029 : f32 to vector<8x128xf32>
        %max3A_1031 = arith.maximumf %sub3A_1028, %max3A_1030 : vector<8x128xf32>
        %min3A_1032 = vector.broadcast %get3A_1023 : f32 to vector<8x128xf32>
        %min3A_1033 = arith.minimumf %min3A_1032, %get3A_350 : vector<8x128xf32>
        %max3A_1034 = vector.broadcast %get3A_1019 : f32 to vector<8x128xf32>
        %max3A_1035 = arith.maximumf %max3A_1034, %get3A_340 : vector<8x128xf32>
        %sub3A_1036 = arith.subf %min3A_1033, %max3A_1035 : vector<8x128xf32>
        %max3A_1037 = arith.constant 0.000000e+00 : f32
        %max3A_1038 = vector.broadcast %max3A_1037 : f32 to vector<8x128xf32>
        %max3A_1039 = arith.maximumf %sub3A_1036, %max3A_1038 : vector<8x128xf32>
        %mul3A_1040 = arith.mulf %max3A_1031, %max3A_1039 : vector<8x128xf32>
        %get3A_1041 = arith.index_cast %min3A_1015 : i32 to index
        %get3A_1042 = memref.load %arg8[%get3A_1041] : memref<768xf32, #tpu.memory_space<smem>>
        %add3A_1043 = vector.broadcast %get3A_1042 : f32 to vector<8x128xf32>
        %add3A_1044 = arith.addf %add3A_364, %add3A_1043 : vector<8x128xf32>
        %gt3A_1045 = arith.cmpf ogt, %mul3A_1040, %add3A_1044 : vector<8x128xf32>
        %jit3A_1046 = arith.constant 1073741824 : i32
        %broadcast_in_dim3A_1047 = vector.broadcast %jit3A_1046 : i32 to vector<8x128xi32>
        %select_n3A_1048 = arith.select %gt3A_1045, %broadcast_in_dim3A_1047, %select_n3A_1008 : vector<8x128xi1>, vector<8x128xi32>
        scf.yield %select_n3A_1048 : vector<8x128xi32>
      }
      %while3A_399 = arith.constant 1 : i32
      %while3A_400 = scf.for %while3A_408 = %while3A_396 to %while3A_392 step %while3A_399 iter_args(%while3A_409 = %while3A_398) -> (vector<8x128xi32>)  : i32 {
        %mul3A_410 = arith.constant 16 : i32
        %mul3A_411 = arith.muli %mul3A_410, %while3A_408 : i32
        %add3A_412 = arith.constant 0 : i32
        %add3A_413 = arith.addi %mul3A_411, %add3A_412 : i32
        %sub3A_414 = arith.constant 1 : i32
        %sub3A_415 = arith.subi %while3A_327, %sub3A_414 : i32
        %min3A = arith.minsi %add3A_413, %sub3A_415 : i32
        %get3A_416 = arith.index_cast %min3A : i32 to index
        %get3A_417 = memref.load %arg4[%get3A_416] : memref<768xf32, #tpu.memory_space<smem>>
        %get3A_418 = arith.index_cast %min3A : i32 to index
        %get3A_419 = memref.load %arg5[%get3A_418] : memref<768xf32, #tpu.memory_space<smem>>
        %get3A_420 = arith.index_cast %min3A : i32 to index
        %get3A_421 = memref.load %arg6[%get3A_420] : memref<768xf32, #tpu.memory_space<smem>>
        %get3A_422 = arith.index_cast %min3A : i32 to index
        %get3A_423 = memref.load %arg7[%get3A_422] : memref<768xf32, #tpu.memory_space<smem>>
        %min3A_424 = vector.broadcast %get3A_421 : f32 to vector<8x128xf32>
        %min3A_425 = arith.minimumf %min3A_424, %get3A_345 : vector<8x128xf32>
        %max3A_426 = vector.broadcast %get3A_417 : f32 to vector<8x128xf32>
        %max3A_427 = arith.maximumf %max3A_426, %get3A_335 : vector<8x128xf32>
        %sub3A_428 = arith.subf %min3A_425, %max3A_427 : vector<8x128xf32>
        %max3A_429 = arith.constant 0.000000e+00 : f32
        %max3A_430 = vector.broadcast %max3A_429 : f32 to vector<8x128xf32>
        %max3A_431 = arith.maximumf %sub3A_428, %max3A_430 : vector<8x128xf32>
        %min3A_432 = vector.broadcast %get3A_423 : f32 to vector<8x128xf32>
        %min3A_433 = arith.minimumf %min3A_432, %get3A_350 : vector<8x128xf32>
        %max3A_434 = vector.broadcast %get3A_419 : f32 to vector<8x128xf32>
        %max3A_435 = arith.maximumf %max3A_434, %get3A_340 : vector<8x128xf32>
        %sub3A_436 = arith.subf %min3A_433, %max3A_435 : vector<8x128xf32>
        %max3A_437 = arith.constant 0.000000e+00 : f32
        %max3A_438 = vector.broadcast %max3A_437 : f32 to vector<8x128xf32>
        %max3A_439 = arith.maximumf %sub3A_436, %max3A_438 : vector<8x128xf32>
        %mul3A_440 = arith.mulf %max3A_431, %max3A_439 : vector<8x128xf32>
        %get3A_441 = arith.index_cast %min3A : i32 to index
        %get3A_442 = memref.load %arg8[%get3A_441] : memref<768xf32, #tpu.memory_space<smem>>
        %add3A_443 = vector.broadcast %get3A_442 : f32 to vector<8x128xf32>
        %add3A_444 = arith.addf %add3A_364, %add3A_443 : vector<8x128xf32>
        %gt3A_445 = arith.cmpf ogt, %mul3A_440, %add3A_444 : vector<8x128xf32>
        %jit3A_446 = arith.constant 1073741824 : i32
        %broadcast_in_dim3A_447 = vector.broadcast %jit3A_446 : i32 to vector<8x128xi32>
        %select_n3A_448 = arith.select %gt3A_445, %broadcast_in_dim3A_447, %while3A_409 : vector<8x128xi1>, vector<8x128xi32>
        %mul3A_449 = arith.constant 16 : i32
        %mul3A_450 = arith.muli %mul3A_449, %while3A_408 : i32
        %add3A_451 = arith.constant 1 : i32
        %add3A_452 = arith.addi %mul3A_450, %add3A_451 : i32
        %sub3A_453 = arith.constant 1 : i32
        %sub3A_454 = arith.subi %while3A_327, %sub3A_453 : i32
        %min3A_455 = arith.minsi %add3A_452, %sub3A_454 : i32
        %get3A_456 = arith.index_cast %min3A_455 : i32 to index
        %get3A_457 = memref.load %arg4[%get3A_456] : memref<768xf32, #tpu.memory_space<smem>>
        %get3A_458 = arith.index_cast %min3A_455 : i32 to index
        %get3A_459 = memref.load %arg5[%get3A_458] : memref<768xf32, #tpu.memory_space<smem>>
        %get3A_460 = arith.index_cast %min3A_455 : i32 to index
        %get3A_461 = memref.load %arg6[%get3A_460] : memref<768xf32, #tpu.memory_space<smem>>
        %get3A_462 = arith.index_cast %min3A_455 : i32 to index
        %get3A_463 = memref.load %arg7[%get3A_462] : memref<768xf32, #tpu.memory_space<smem>>
        %min3A_464 = vector.broadcast %get3A_461 : f32 to vector<8x128xf32>
        %min3A_465 = arith.minimumf %min3A_464, %get3A_345 : vector<8x128xf32>
        %max3A_466 = vector.broadcast %get3A_457 : f32 to vector<8x128xf32>
        %max3A_467 = arith.maximumf %max3A_466, %get3A_335 : vector<8x128xf32>
        %sub3A_468 = arith.subf %min3A_465, %max3A_467 : vector<8x128xf32>
        %max3A_469 = arith.constant 0.000000e+00 : f32
        %max3A_470 = vector.broadcast %max3A_469 : f32 to vector<8x128xf32>
        %max3A_471 = arith.maximumf %sub3A_468, %max3A_470 : vector<8x128xf32>
        %min3A_472 = vector.broadcast %get3A_463 : f32 to vector<8x128xf32>
        %min3A_473 = arith.minimumf %min3A_472, %get3A_350 : vector<8x128xf32>
        %max3A_474 = vector.broadcast %get3A_459 : f32 to vector<8x128xf32>
        %max3A_475 = arith.maximumf %max3A_474, %get3A_340 : vector<8x128xf32>
        %sub3A_476 = arith.subf %min3A_473, %max3A_475 : vector<8x128xf32>
        %max3A_477 = arith.constant 0.000000e+00 : f32
        %max3A_478 = vector.broadcast %max3A_477 : f32 to vector<8x128xf32>
        %max3A_479 = arith.maximumf %sub3A_476, %max3A_478 : vector<8x128xf32>
        %mul3A_480 = arith.mulf %max3A_471, %max3A_479 : vector<8x128xf32>
        %get3A_481 = arith.index_cast %min3A_455 : i32 to index
        %get3A_482 = memref.load %arg8[%get3A_481] : memref<768xf32, #tpu.memory_space<smem>>
        %add3A_483 = vector.broadcast %get3A_482 : f32 to vector<8x128xf32>
        %add3A_484 = arith.addf %add3A_364, %add3A_483 : vector<8x128xf32>
        %gt3A_485 = arith.cmpf ogt, %mul3A_480, %add3A_484 : vector<8x128xf32>
        %jit3A_486 = arith.constant 1073741824 : i32
        %broadcast_in_dim3A_487 = vector.broadcast %jit3A_486 : i32 to vector<8x128xi32>
        %select_n3A_488 = arith.select %gt3A_485, %broadcast_in_dim3A_487, %select_n3A_448 : vector<8x128xi1>, vector<8x128xi32>
        %mul3A_489 = arith.constant 16 : i32
        %mul3A_490 = arith.muli %mul3A_489, %while3A_408 : i32
        %add3A_491 = arith.constant 2 : i32
        %add3A_492 = arith.addi %mul3A_490, %add3A_491 : i32
        %sub3A_493 = arith.constant 1 : i32
        %sub3A_494 = arith.subi %while3A_327, %sub3A_493 : i32
        %min3A_495 = arith.minsi %add3A_492, %sub3A_494 : i32
        %get3A_496 = arith.index_cast %min3A_495 : i32 to index
        %get3A_497 = memref.load %arg4[%get3A_496] : memref<768xf32, #tpu.memory_space<smem>>
        %get3A_498 = arith.index_cast %min3A_495 : i32 to index
        %get3A_499 = memref.load %arg5[%get3A_498] : memref<768xf32, #tpu.memory_space<smem>>
        %get3A_500 = arith.index_cast %min3A_495 : i32 to index
        %get3A_501 = memref.load %arg6[%get3A_500] : memref<768xf32, #tpu.memory_space<smem>>
        %get3A_502 = arith.index_cast %min3A_495 : i32 to index
        %get3A_503 = memref.load %arg7[%get3A_502] : memref<768xf32, #tpu.memory_space<smem>>
        %min3A_504 = vector.broadcast %get3A_501 : f32 to vector<8x128xf32>
        %min3A_505 = arith.minimumf %min3A_504, %get3A_345 : vector<8x128xf32>
        %max3A_506 = vector.broadcast %get3A_497 : f32 to vector<8x128xf32>
        %max3A_507 = arith.maximumf %max3A_506, %get3A_335 : vector<8x128xf32>
        %sub3A_508 = arith.subf %min3A_505, %max3A_507 : vector<8x128xf32>
        %max3A_509 = arith.constant 0.000000e+00 : f32
        %max3A_510 = vector.broadcast %max3A_509 : f32 to vector<8x128xf32>
        %max3A_511 = arith.maximumf %sub3A_508, %max3A_510 : vector<8x128xf32>
        %min3A_512 = vector.broadcast %get3A_503 : f32 to vector<8x128xf32>
        %min3A_513 = arith.minimumf %min3A_512, %get3A_350 : vector<8x128xf32>
        %max3A_514 = vector.broadcast %get3A_499 : f32 to vector<8x128xf32>
        %max3A_515 = arith.maximumf %max3A_514, %get3A_340 : vector<8x128xf32>
        %sub3A_516 = arith.subf %min3A_513, %max3A_515 : vector<8x128xf32>
        %max3A_517 = arith.constant 0.000000e+00 : f32
        %max3A_518 = vector.broadcast %max3A_517 : f32 to vector<8x128xf32>
        %max3A_519 = arith.maximumf %sub3A_516, %max3A_518 : vector<8x128xf32>
        %mul3A_520 = arith.mulf %max3A_511, %max3A_519 : vector<8x128xf32>
        %get3A_521 = arith.index_cast %min3A_495 : i32 to index
        %get3A_522 = memref.load %arg8[%get3A_521] : memref<768xf32, #tpu.memory_space<smem>>
        %add3A_523 = vector.broadcast %get3A_522 : f32 to vector<8x128xf32>
        %add3A_524 = arith.addf %add3A_364, %add3A_523 : vector<8x128xf32>
        %gt3A_525 = arith.cmpf ogt, %mul3A_520, %add3A_524 : vector<8x128xf32>
        %jit3A_526 = arith.constant 1073741824 : i32
        %broadcast_in_dim3A_527 = vector.broadcast %jit3A_526 : i32 to vector<8x128xi32>
        %select_n3A_528 = arith.select %gt3A_525, %broadcast_in_dim3A_527, %select_n3A_488 : vector<8x128xi1>, vector<8x128xi32>
        %mul3A_529 = arith.constant 16 : i32
        %mul3A_530 = arith.muli %mul3A_529, %while3A_408 : i32
        %add3A_531 = arith.constant 3 : i32
        %add3A_532 = arith.addi %mul3A_530, %add3A_531 : i32
        %sub3A_533 = arith.constant 1 : i32
        %sub3A_534 = arith.subi %while3A_327, %sub3A_533 : i32
        %min3A_535 = arith.minsi %add3A_532, %sub3A_534 : i32
        %get3A_536 = arith.index_cast %min3A_535 : i32 to index
        %get3A_537 = memref.load %arg4[%get3A_536] : memref<768xf32, #tpu.memory_space<smem>>
        %get3A_538 = arith.index_cast %min3A_535 : i32 to index
        %get3A_539 = memref.load %arg5[%get3A_538] : memref<768xf32, #tpu.memory_space<smem>>
        %get3A_540 = arith.index_cast %min3A_535 : i32 to index
        %get3A_541 = memref.load %arg6[%get3A_540] : memref<768xf32, #tpu.memory_space<smem>>
        %get3A_542 = arith.index_cast %min3A_535 : i32 to index
        %get3A_543 = memref.load %arg7[%get3A_542] : memref<768xf32, #tpu.memory_space<smem>>
        %min3A_544 = vector.broadcast %get3A_541 : f32 to vector<8x128xf32>
        %min3A_545 = arith.minimumf %min3A_544, %get3A_345 : vector<8x128xf32>
        %max3A_546 = vector.broadcast %get3A_537 : f32 to vector<8x128xf32>
        %max3A_547 = arith.maximumf %max3A_546, %get3A_335 : vector<8x128xf32>
        %sub3A_548 = arith.subf %min3A_545, %max3A_547 : vector<8x128xf32>
        %max3A_549 = arith.constant 0.000000e+00 : f32
        %max3A_550 = vector.broadcast %max3A_549 : f32 to vector<8x128xf32>
        %max3A_551 = arith.maximumf %sub3A_548, %max3A_550 : vector<8x128xf32>
        %min3A_552 = vector.broadcast %get3A_543 : f32 to vector<8x128xf32>
        %min3A_553 = arith.minimumf %min3A_552, %get3A_350 : vector<8x128xf32>
        %max3A_554 = vector.broadcast %get3A_539 : f32 to vector<8x128xf32>
        %max3A_555 = arith.maximumf %max3A_554, %get3A_340 : vector<8x128xf32>
        %sub3A_556 = arith.subf %min3A_553, %max3A_555 : vector<8x128xf32>
        %max3A_557 = arith.constant 0.000000e+00 : f32
        %max3A_558 = vector.broadcast %max3A_557 : f32 to vector<8x128xf32>
        %max3A_559 = arith.maximumf %sub3A_556, %max3A_558 : vector<8x128xf32>
        %mul3A_560 = arith.mulf %max3A_551, %max3A_559 : vector<8x128xf32>
        %get3A_561 = arith.index_cast %min3A_535 : i32 to index
        %get3A_562 = memref.load %arg8[%get3A_561] : memref<768xf32, #tpu.memory_space<smem>>
        %add3A_563 = vector.broadcast %get3A_562 : f32 to vector<8x128xf32>
        %add3A_564 = arith.addf %add3A_364, %add3A_563 : vector<8x128xf32>
        %gt3A_565 = arith.cmpf ogt, %mul3A_560, %add3A_564 : vector<8x128xf32>
        %jit3A_566 = arith.constant 1073741824 : i32
        %broadcast_in_dim3A_567 = vector.broadcast %jit3A_566 : i32 to vector<8x128xi32>
        %select_n3A_568 = arith.select %gt3A_565, %broadcast_in_dim3A_567, %select_n3A_528 : vector<8x128xi1>, vector<8x128xi32>
        %mul3A_569 = arith.constant 16 : i32
        %mul3A_570 = arith.muli %mul3A_569, %while3A_408 : i32
        %add3A_571 = arith.constant 4 : i32
        %add3A_572 = arith.addi %mul3A_570, %add3A_571 : i32
        %sub3A_573 = arith.constant 1 : i32
        %sub3A_574 = arith.subi %while3A_327, %sub3A_573 : i32
        %min3A_575 = arith.minsi %add3A_572, %sub3A_574 : i32
        %get3A_576 = arith.index_cast %min3A_575 : i32 to index
        %get3A_577 = memref.load %arg4[%get3A_576] : memref<768xf32, #tpu.memory_space<smem>>
        %get3A_578 = arith.index_cast %min3A_575 : i32 to index
        %get3A_579 = memref.load %arg5[%get3A_578] : memref<768xf32, #tpu.memory_space<smem>>
        %get3A_580 = arith.index_cast %min3A_575 : i32 to index
        %get3A_581 = memref.load %arg6[%get3A_580] : memref<768xf32, #tpu.memory_space<smem>>
        %get3A_582 = arith.index_cast %min3A_575 : i32 to index
        %get3A_583 = memref.load %arg7[%get3A_582] : memref<768xf32, #tpu.memory_space<smem>>
        %min3A_584 = vector.broadcast %get3A_581 : f32 to vector<8x128xf32>
        %min3A_585 = arith.minimumf %min3A_584, %get3A_345 : vector<8x128xf32>
        %max3A_586 = vector.broadcast %get3A_577 : f32 to vector<8x128xf32>
        %max3A_587 = arith.maximumf %max3A_586, %get3A_335 : vector<8x128xf32>
        %sub3A_588 = arith.subf %min3A_585, %max3A_587 : vector<8x128xf32>
        %max3A_589 = arith.constant 0.000000e+00 : f32
        %max3A_590 = vector.broadcast %max3A_589 : f32 to vector<8x128xf32>
        %max3A_591 = arith.maximumf %sub3A_588, %max3A_590 : vector<8x128xf32>
        %min3A_592 = vector.broadcast %get3A_583 : f32 to vector<8x128xf32>
        %min3A_593 = arith.minimumf %min3A_592, %get3A_350 : vector<8x128xf32>
        %max3A_594 = vector.broadcast %get3A_579 : f32 to vector<8x128xf32>
        %max3A_595 = arith.maximumf %max3A_594, %get3A_340 : vector<8x128xf32>
        %sub3A_596 = arith.subf %min3A_593, %max3A_595 : vector<8x128xf32>
        %max3A_597 = arith.constant 0.000000e+00 : f32
        %max3A_598 = vector.broadcast %max3A_597 : f32 to vector<8x128xf32>
        %max3A_599 = arith.maximumf %sub3A_596, %max3A_598 : vector<8x128xf32>
        %mul3A_600 = arith.mulf %max3A_591, %max3A_599 : vector<8x128xf32>
        %get3A_601 = arith.index_cast %min3A_575 : i32 to index
        %get3A_602 = memref.load %arg8[%get3A_601] : memref<768xf32, #tpu.memory_space<smem>>
        %add3A_603 = vector.broadcast %get3A_602 : f32 to vector<8x128xf32>
        %add3A_604 = arith.addf %add3A_364, %add3A_603 : vector<8x128xf32>
        %gt3A_605 = arith.cmpf ogt, %mul3A_600, %add3A_604 : vector<8x128xf32>
        %jit3A_606 = arith.constant 1073741824 : i32
        %broadcast_in_dim3A_607 = vector.broadcast %jit3A_606 : i32 to vector<8x128xi32>
        %select_n3A_608 = arith.select %gt3A_605, %broadcast_in_dim3A_607, %select_n3A_568 : vector<8x128xi1>, vector<8x128xi32>
        %mul3A_609 = arith.constant 16 : i32
        %mul3A_610 = arith.muli %mul3A_609, %while3A_408 : i32
        %add3A_611 = arith.constant 5 : i32
        %add3A_612 = arith.addi %mul3A_610, %add3A_611 : i32
        %sub3A_613 = arith.constant 1 : i32
        %sub3A_614 = arith.subi %while3A_327, %sub3A_613 : i32
        %min3A_615 = arith.minsi %add3A_612, %sub3A_614 : i32
        %get3A_616 = arith.index_cast %min3A_615 : i32 to index
        %get3A_617 = memref.load %arg4[%get3A_616] : memref<768xf32, #tpu.memory_space<smem>>
        %get3A_618 = arith.index_cast %min3A_615 : i32 to index
        %get3A_619 = memref.load %arg5[%get3A_618] : memref<768xf32, #tpu.memory_space<smem>>
        %get3A_620 = arith.index_cast %min3A_615 : i32 to index
        %get3A_621 = memref.load %arg6[%get3A_620] : memref<768xf32, #tpu.memory_space<smem>>
        %get3A_622 = arith.index_cast %min3A_615 : i32 to index
        %get3A_623 = memref.load %arg7[%get3A_622] : memref<768xf32, #tpu.memory_space<smem>>
        %min3A_624 = vector.broadcast %get3A_621 : f32 to vector<8x128xf32>
        %min3A_625 = arith.minimumf %min3A_624, %get3A_345 : vector<8x128xf32>
        %max3A_626 = vector.broadcast %get3A_617 : f32 to vector<8x128xf32>
        %max3A_627 = arith.maximumf %max3A_626, %get3A_335 : vector<8x128xf32>
        %sub3A_628 = arith.subf %min3A_625, %max3A_627 : vector<8x128xf32>
        %max3A_629 = arith.constant 0.000000e+00 : f32
        %max3A_630 = vector.broadcast %max3A_629 : f32 to vector<8x128xf32>
        %max3A_631 = arith.maximumf %sub3A_628, %max3A_630 : vector<8x128xf32>
        %min3A_632 = vector.broadcast %get3A_623 : f32 to vector<8x128xf32>
        %min3A_633 = arith.minimumf %min3A_632, %get3A_350 : vector<8x128xf32>
        %max3A_634 = vector.broadcast %get3A_619 : f32 to vector<8x128xf32>
        %max3A_635 = arith.maximumf %max3A_634, %get3A_340 : vector<8x128xf32>
        %sub3A_636 = arith.subf %min3A_633, %max3A_635 : vector<8x128xf32>
        %max3A_637 = arith.constant 0.000000e+00 : f32
        %max3A_638 = vector.broadcast %max3A_637 : f32 to vector<8x128xf32>
        %max3A_639 = arith.maximumf %sub3A_636, %max3A_638 : vector<8x128xf32>
        %mul3A_640 = arith.mulf %max3A_631, %max3A_639 : vector<8x128xf32>
        %get3A_641 = arith.index_cast %min3A_615 : i32 to index
        %get3A_642 = memref.load %arg8[%get3A_641] : memref<768xf32, #tpu.memory_space<smem>>
        %add3A_643 = vector.broadcast %get3A_642 : f32 to vector<8x128xf32>
        %add3A_644 = arith.addf %add3A_364, %add3A_643 : vector<8x128xf32>
        %gt3A_645 = arith.cmpf ogt, %mul3A_640, %add3A_644 : vector<8x128xf32>
        %jit3A_646 = arith.constant 1073741824 : i32
        %broadcast_in_dim3A_647 = vector.broadcast %jit3A_646 : i32 to vector<8x128xi32>
        %select_n3A_648 = arith.select %gt3A_645, %broadcast_in_dim3A_647, %select_n3A_608 : vector<8x128xi1>, vector<8x128xi32>
        %mul3A_649 = arith.constant 16 : i32
        %mul3A_650 = arith.muli %mul3A_649, %while3A_408 : i32
        %add3A_651 = arith.constant 6 : i32
        %add3A_652 = arith.addi %mul3A_650, %add3A_651 : i32
        %sub3A_653 = arith.constant 1 : i32
        %sub3A_654 = arith.subi %while3A_327, %sub3A_653 : i32
        %min3A_655 = arith.minsi %add3A_652, %sub3A_654 : i32
        %get3A_656 = arith.index_cast %min3A_655 : i32 to index
        %get3A_657 = memref.load %arg4[%get3A_656] : memref<768xf32, #tpu.memory_space<smem>>
        %get3A_658 = arith.index_cast %min3A_655 : i32 to index
        %get3A_659 = memref.load %arg5[%get3A_658] : memref<768xf32, #tpu.memory_space<smem>>
        %get3A_660 = arith.index_cast %min3A_655 : i32 to index
        %get3A_661 = memref.load %arg6[%get3A_660] : memref<768xf32, #tpu.memory_space<smem>>
        %get3A_662 = arith.index_cast %min3A_655 : i32 to index
        %get3A_663 = memref.load %arg7[%get3A_662] : memref<768xf32, #tpu.memory_space<smem>>
        %min3A_664 = vector.broadcast %get3A_661 : f32 to vector<8x128xf32>
        %min3A_665 = arith.minimumf %min3A_664, %get3A_345 : vector<8x128xf32>
        %max3A_666 = vector.broadcast %get3A_657 : f32 to vector<8x128xf32>
        %max3A_667 = arith.maximumf %max3A_666, %get3A_335 : vector<8x128xf32>
        %sub3A_668 = arith.subf %min3A_665, %max3A_667 : vector<8x128xf32>
        %max3A_669 = arith.constant 0.000000e+00 : f32
        %max3A_670 = vector.broadcast %max3A_669 : f32 to vector<8x128xf32>
        %max3A_671 = arith.maximumf %sub3A_668, %max3A_670 : vector<8x128xf32>
        %min3A_672 = vector.broadcast %get3A_663 : f32 to vector<8x128xf32>
        %min3A_673 = arith.minimumf %min3A_672, %get3A_350 : vector<8x128xf32>
        %max3A_674 = vector.broadcast %get3A_659 : f32 to vector<8x128xf32>
        %max3A_675 = arith.maximumf %max3A_674, %get3A_340 : vector<8x128xf32>
        %sub3A_676 = arith.subf %min3A_673, %max3A_675 : vector<8x128xf32>
        %max3A_677 = arith.constant 0.000000e+00 : f32
        %max3A_678 = vector.broadcast %max3A_677 : f32 to vector<8x128xf32>
        %max3A_679 = arith.maximumf %sub3A_676, %max3A_678 : vector<8x128xf32>
        %mul3A_680 = arith.mulf %max3A_671, %max3A_679 : vector<8x128xf32>
        %get3A_681 = arith.index_cast %min3A_655 : i32 to index
        %get3A_682 = memref.load %arg8[%get3A_681] : memref<768xf32, #tpu.memory_space<smem>>
        %add3A_683 = vector.broadcast %get3A_682 : f32 to vector<8x128xf32>
        %add3A_684 = arith.addf %add3A_364, %add3A_683 : vector<8x128xf32>
        %gt3A_685 = arith.cmpf ogt, %mul3A_680, %add3A_684 : vector<8x128xf32>
        %jit3A_686 = arith.constant 1073741824 : i32
        %broadcast_in_dim3A_687 = vector.broadcast %jit3A_686 : i32 to vector<8x128xi32>
        %select_n3A_688 = arith.select %gt3A_685, %broadcast_in_dim3A_687, %select_n3A_648 : vector<8x128xi1>, vector<8x128xi32>
        %mul3A_689 = arith.constant 16 : i32
        %mul3A_690 = arith.muli %mul3A_689, %while3A_408 : i32
        %add3A_691 = arith.constant 7 : i32
        %add3A_692 = arith.addi %mul3A_690, %add3A_691 : i32
        %sub3A_693 = arith.constant 1 : i32
        %sub3A_694 = arith.subi %while3A_327, %sub3A_693 : i32
        %min3A_695 = arith.minsi %add3A_692, %sub3A_694 : i32
        %get3A_696 = arith.index_cast %min3A_695 : i32 to index
        %get3A_697 = memref.load %arg4[%get3A_696] : memref<768xf32, #tpu.memory_space<smem>>
        %get3A_698 = arith.index_cast %min3A_695 : i32 to index
        %get3A_699 = memref.load %arg5[%get3A_698] : memref<768xf32, #tpu.memory_space<smem>>
        %get3A_700 = arith.index_cast %min3A_695 : i32 to index
        %get3A_701 = memref.load %arg6[%get3A_700] : memref<768xf32, #tpu.memory_space<smem>>
        %get3A_702 = arith.index_cast %min3A_695 : i32 to index
        %get3A_703 = memref.load %arg7[%get3A_702] : memref<768xf32, #tpu.memory_space<smem>>
        %min3A_704 = vector.broadcast %get3A_701 : f32 to vector<8x128xf32>
        %min3A_705 = arith.minimumf %min3A_704, %get3A_345 : vector<8x128xf32>
        %max3A_706 = vector.broadcast %get3A_697 : f32 to vector<8x128xf32>
        %max3A_707 = arith.maximumf %max3A_706, %get3A_335 : vector<8x128xf32>
        %sub3A_708 = arith.subf %min3A_705, %max3A_707 : vector<8x128xf32>
        %max3A_709 = arith.constant 0.000000e+00 : f32
        %max3A_710 = vector.broadcast %max3A_709 : f32 to vector<8x128xf32>
        %max3A_711 = arith.maximumf %sub3A_708, %max3A_710 : vector<8x128xf32>
        %min3A_712 = vector.broadcast %get3A_703 : f32 to vector<8x128xf32>
        %min3A_713 = arith.minimumf %min3A_712, %get3A_350 : vector<8x128xf32>
        %max3A_714 = vector.broadcast %get3A_699 : f32 to vector<8x128xf32>
        %max3A_715 = arith.maximumf %max3A_714, %get3A_340 : vector<8x128xf32>
        %sub3A_716 = arith.subf %min3A_713, %max3A_715 : vector<8x128xf32>
        %max3A_717 = arith.constant 0.000000e+00 : f32
        %max3A_718 = vector.broadcast %max3A_717 : f32 to vector<8x128xf32>
        %max3A_719 = arith.maximumf %sub3A_716, %max3A_718 : vector<8x128xf32>
        %mul3A_720 = arith.mulf %max3A_711, %max3A_719 : vector<8x128xf32>
        %get3A_721 = arith.index_cast %min3A_695 : i32 to index
        %get3A_722 = memref.load %arg8[%get3A_721] : memref<768xf32, #tpu.memory_space<smem>>
        %add3A_723 = vector.broadcast %get3A_722 : f32 to vector<8x128xf32>
        %add3A_724 = arith.addf %add3A_364, %add3A_723 : vector<8x128xf32>
        %gt3A_725 = arith.cmpf ogt, %mul3A_720, %add3A_724 : vector<8x128xf32>
        %jit3A_726 = arith.constant 1073741824 : i32
        %broadcast_in_dim3A_727 = vector.broadcast %jit3A_726 : i32 to vector<8x128xi32>
        %select_n3A_728 = arith.select %gt3A_725, %broadcast_in_dim3A_727, %select_n3A_688 : vector<8x128xi1>, vector<8x128xi32>
        %mul3A_729 = arith.constant 16 : i32
        %mul3A_730 = arith.muli %mul3A_729, %while3A_408 : i32
        %add3A_731 = arith.constant 8 : i32
        %add3A_732 = arith.addi %mul3A_730, %add3A_731 : i32
        %sub3A_733 = arith.constant 1 : i32
        %sub3A_734 = arith.subi %while3A_327, %sub3A_733 : i32
        %min3A_735 = arith.minsi %add3A_732, %sub3A_734 : i32
        %get3A_736 = arith.index_cast %min3A_735 : i32 to index
        %get3A_737 = memref.load %arg4[%get3A_736] : memref<768xf32, #tpu.memory_space<smem>>
        %get3A_738 = arith.index_cast %min3A_735 : i32 to index
        %get3A_739 = memref.load %arg5[%get3A_738] : memref<768xf32, #tpu.memory_space<smem>>
        %get3A_740 = arith.index_cast %min3A_735 : i32 to index
        %get3A_741 = memref.load %arg6[%get3A_740] : memref<768xf32, #tpu.memory_space<smem>>
        %get3A_742 = arith.index_cast %min3A_735 : i32 to index
        %get3A_743 = memref.load %arg7[%get3A_742] : memref<768xf32, #tpu.memory_space<smem>>
        %min3A_744 = vector.broadcast %get3A_741 : f32 to vector<8x128xf32>
        %min3A_745 = arith.minimumf %min3A_744, %get3A_345 : vector<8x128xf32>
        %max3A_746 = vector.broadcast %get3A_737 : f32 to vector<8x128xf32>
        %max3A_747 = arith.maximumf %max3A_746, %get3A_335 : vector<8x128xf32>
        %sub3A_748 = arith.subf %min3A_745, %max3A_747 : vector<8x128xf32>
        %max3A_749 = arith.constant 0.000000e+00 : f32
        %max3A_750 = vector.broadcast %max3A_749 : f32 to vector<8x128xf32>
        %max3A_751 = arith.maximumf %sub3A_748, %max3A_750 : vector<8x128xf32>
        %min3A_752 = vector.broadcast %get3A_743 : f32 to vector<8x128xf32>
        %min3A_753 = arith.minimumf %min3A_752, %get3A_350 : vector<8x128xf32>
        %max3A_754 = vector.broadcast %get3A_739 : f32 to vector<8x128xf32>
        %max3A_755 = arith.maximumf %max3A_754, %get3A_340 : vector<8x128xf32>
        %sub3A_756 = arith.subf %min3A_753, %max3A_755 : vector<8x128xf32>
        %max3A_757 = arith.constant 0.000000e+00 : f32
        %max3A_758 = vector.broadcast %max3A_757 : f32 to vector<8x128xf32>
        %max3A_759 = arith.maximumf %sub3A_756, %max3A_758 : vector<8x128xf32>
        %mul3A_760 = arith.mulf %max3A_751, %max3A_759 : vector<8x128xf32>
        %get3A_761 = arith.index_cast %min3A_735 : i32 to index
        %get3A_762 = memref.load %arg8[%get3A_761] : memref<768xf32, #tpu.memory_space<smem>>
        %add3A_763 = vector.broadcast %get3A_762 : f32 to vector<8x128xf32>
        %add3A_764 = arith.addf %add3A_364, %add3A_763 : vector<8x128xf32>
        %gt3A_765 = arith.cmpf ogt, %mul3A_760, %add3A_764 : vector<8x128xf32>
        %jit3A_766 = arith.constant 1073741824 : i32
        %broadcast_in_dim3A_767 = vector.broadcast %jit3A_766 : i32 to vector<8x128xi32>
        %select_n3A_768 = arith.select %gt3A_765, %broadcast_in_dim3A_767, %select_n3A_728 : vector<8x128xi1>, vector<8x128xi32>
        %mul3A_769 = arith.constant 16 : i32
        %mul3A_770 = arith.muli %mul3A_769, %while3A_408 : i32
        %add3A_771 = arith.constant 9 : i32
        %add3A_772 = arith.addi %mul3A_770, %add3A_771 : i32
        %sub3A_773 = arith.constant 1 : i32
        %sub3A_774 = arith.subi %while3A_327, %sub3A_773 : i32
        %min3A_775 = arith.minsi %add3A_772, %sub3A_774 : i32
        %get3A_776 = arith.index_cast %min3A_775 : i32 to index
        %get3A_777 = memref.load %arg4[%get3A_776] : memref<768xf32, #tpu.memory_space<smem>>
        %get3A_778 = arith.index_cast %min3A_775 : i32 to index
        %get3A_779 = memref.load %arg5[%get3A_778] : memref<768xf32, #tpu.memory_space<smem>>
        %get3A_780 = arith.index_cast %min3A_775 : i32 to index
        %get3A_781 = memref.load %arg6[%get3A_780] : memref<768xf32, #tpu.memory_space<smem>>
        %get3A_782 = arith.index_cast %min3A_775 : i32 to index
        %get3A_783 = memref.load %arg7[%get3A_782] : memref<768xf32, #tpu.memory_space<smem>>
        %min3A_784 = vector.broadcast %get3A_781 : f32 to vector<8x128xf32>
        %min3A_785 = arith.minimumf %min3A_784, %get3A_345 : vector<8x128xf32>
        %max3A_786 = vector.broadcast %get3A_777 : f32 to vector<8x128xf32>
        %max3A_787 = arith.maximumf %max3A_786, %get3A_335 : vector<8x128xf32>
        %sub3A_788 = arith.subf %min3A_785, %max3A_787 : vector<8x128xf32>
        %max3A_789 = arith.constant 0.000000e+00 : f32
        %max3A_790 = vector.broadcast %max3A_789 : f32 to vector<8x128xf32>
        %max3A_791 = arith.maximumf %sub3A_788, %max3A_790 : vector<8x128xf32>
        %min3A_792 = vector.broadcast %get3A_783 : f32 to vector<8x128xf32>
        %min3A_793 = arith.minimumf %min3A_792, %get3A_350 : vector<8x128xf32>
        %max3A_794 = vector.broadcast %get3A_779 : f32 to vector<8x128xf32>
        %max3A_795 = arith.maximumf %max3A_794, %get3A_340 : vector<8x128xf32>
        %sub3A_796 = arith.subf %min3A_793, %max3A_795 : vector<8x128xf32>
        %max3A_797 = arith.constant 0.000000e+00 : f32
        %max3A_798 = vector.broadcast %max3A_797 : f32 to vector<8x128xf32>
        %max3A_799 = arith.maximumf %sub3A_796, %max3A_798 : vector<8x128xf32>
        %mul3A_800 = arith.mulf %max3A_791, %max3A_799 : vector<8x128xf32>
        %get3A_801 = arith.index_cast %min3A_775 : i32 to index
        %get3A_802 = memref.load %arg8[%get3A_801] : memref<768xf32, #tpu.memory_space<smem>>
        %add3A_803 = vector.broadcast %get3A_802 : f32 to vector<8x128xf32>
        %add3A_804 = arith.addf %add3A_364, %add3A_803 : vector<8x128xf32>
        %gt3A_805 = arith.cmpf ogt, %mul3A_800, %add3A_804 : vector<8x128xf32>
        %jit3A_806 = arith.constant 1073741824 : i32
        %broadcast_in_dim3A_807 = vector.broadcast %jit3A_806 : i32 to vector<8x128xi32>
        %select_n3A_808 = arith.select %gt3A_805, %broadcast_in_dim3A_807, %select_n3A_768 : vector<8x128xi1>, vector<8x128xi32>
        %mul3A_809 = arith.constant 16 : i32
        %mul3A_810 = arith.muli %mul3A_809, %while3A_408 : i32
        %add3A_811 = arith.constant 10 : i32
        %add3A_812 = arith.addi %mul3A_810, %add3A_811 : i32
        %sub3A_813 = arith.constant 1 : i32
        %sub3A_814 = arith.subi %while3A_327, %sub3A_813 : i32
        %min3A_815 = arith.minsi %add3A_812, %sub3A_814 : i32
        %get3A_816 = arith.index_cast %min3A_815 : i32 to index
        %get3A_817 = memref.load %arg4[%get3A_816] : memref<768xf32, #tpu.memory_space<smem>>
        %get3A_818 = arith.index_cast %min3A_815 : i32 to index
        %get3A_819 = memref.load %arg5[%get3A_818] : memref<768xf32, #tpu.memory_space<smem>>
        %get3A_820 = arith.index_cast %min3A_815 : i32 to index
        %get3A_821 = memref.load %arg6[%get3A_820] : memref<768xf32, #tpu.memory_space<smem>>
        %get3A_822 = arith.index_cast %min3A_815 : i32 to index
        %get3A_823 = memref.load %arg7[%get3A_822] : memref<768xf32, #tpu.memory_space<smem>>
        %min3A_824 = vector.broadcast %get3A_821 : f32 to vector<8x128xf32>
        %min3A_825 = arith.minimumf %min3A_824, %get3A_345 : vector<8x128xf32>
        %max3A_826 = vector.broadcast %get3A_817 : f32 to vector<8x128xf32>
        %max3A_827 = arith.maximumf %max3A_826, %get3A_335 : vector<8x128xf32>
        %sub3A_828 = arith.subf %min3A_825, %max3A_827 : vector<8x128xf32>
        %max3A_829 = arith.constant 0.000000e+00 : f32
        %max3A_830 = vector.broadcast %max3A_829 : f32 to vector<8x128xf32>
        %max3A_831 = arith.maximumf %sub3A_828, %max3A_830 : vector<8x128xf32>
        %min3A_832 = vector.broadcast %get3A_823 : f32 to vector<8x128xf32>
        %min3A_833 = arith.minimumf %min3A_832, %get3A_350 : vector<8x128xf32>
        %max3A_834 = vector.broadcast %get3A_819 : f32 to vector<8x128xf32>
        %max3A_835 = arith.maximumf %max3A_834, %get3A_340 : vector<8x128xf32>
        %sub3A_836 = arith.subf %min3A_833, %max3A_835 : vector<8x128xf32>
        %max3A_837 = arith.constant 0.000000e+00 : f32
        %max3A_838 = vector.broadcast %max3A_837 : f32 to vector<8x128xf32>
        %max3A_839 = arith.maximumf %sub3A_836, %max3A_838 : vector<8x128xf32>
        %mul3A_840 = arith.mulf %max3A_831, %max3A_839 : vector<8x128xf32>
        %get3A_841 = arith.index_cast %min3A_815 : i32 to index
        %get3A_842 = memref.load %arg8[%get3A_841] : memref<768xf32, #tpu.memory_space<smem>>
        %add3A_843 = vector.broadcast %get3A_842 : f32 to vector<8x128xf32>
        %add3A_844 = arith.addf %add3A_364, %add3A_843 : vector<8x128xf32>
        %gt3A_845 = arith.cmpf ogt, %mul3A_840, %add3A_844 : vector<8x128xf32>
        %jit3A_846 = arith.constant 1073741824 : i32
        %broadcast_in_dim3A_847 = vector.broadcast %jit3A_846 : i32 to vector<8x128xi32>
        %select_n3A_848 = arith.select %gt3A_845, %broadcast_in_dim3A_847, %select_n3A_808 : vector<8x128xi1>, vector<8x128xi32>
        %mul3A_849 = arith.constant 16 : i32
        %mul3A_850 = arith.muli %mul3A_849, %while3A_408 : i32
        %add3A_851 = arith.constant 11 : i32
        %add3A_852 = arith.addi %mul3A_850, %add3A_851 : i32
        %sub3A_853 = arith.constant 1 : i32
        %sub3A_854 = arith.subi %while3A_327, %sub3A_853 : i32
        %min3A_855 = arith.minsi %add3A_852, %sub3A_854 : i32
        %get3A_856 = arith.index_cast %min3A_855 : i32 to index
        %get3A_857 = memref.load %arg4[%get3A_856] : memref<768xf32, #tpu.memory_space<smem>>
        %get3A_858 = arith.index_cast %min3A_855 : i32 to index
        %get3A_859 = memref.load %arg5[%get3A_858] : memref<768xf32, #tpu.memory_space<smem>>
        %get3A_860 = arith.index_cast %min3A_855 : i32 to index
        %get3A_861 = memref.load %arg6[%get3A_860] : memref<768xf32, #tpu.memory_space<smem>>
        %get3A_862 = arith.index_cast %min3A_855 : i32 to index
        %get3A_863 = memref.load %arg7[%get3A_862] : memref<768xf32, #tpu.memory_space<smem>>
        %min3A_864 = vector.broadcast %get3A_861 : f32 to vector<8x128xf32>
        %min3A_865 = arith.minimumf %min3A_864, %get3A_345 : vector<8x128xf32>
        %max3A_866 = vector.broadcast %get3A_857 : f32 to vector<8x128xf32>
        %max3A_867 = arith.maximumf %max3A_866, %get3A_335 : vector<8x128xf32>
        %sub3A_868 = arith.subf %min3A_865, %max3A_867 : vector<8x128xf32>
        %max3A_869 = arith.constant 0.000000e+00 : f32
        %max3A_870 = vector.broadcast %max3A_869 : f32 to vector<8x128xf32>
        %max3A_871 = arith.maximumf %sub3A_868, %max3A_870 : vector<8x128xf32>
        %min3A_872 = vector.broadcast %get3A_863 : f32 to vector<8x128xf32>
        %min3A_873 = arith.minimumf %min3A_872, %get3A_350 : vector<8x128xf32>
        %max3A_874 = vector.broadcast %get3A_859 : f32 to vector<8x128xf32>
        %max3A_875 = arith.maximumf %max3A_874, %get3A_340 : vector<8x128xf32>
        %sub3A_876 = arith.subf %min3A_873, %max3A_875 : vector<8x128xf32>
        %max3A_877 = arith.constant 0.000000e+00 : f32
        %max3A_878 = vector.broadcast %max3A_877 : f32 to vector<8x128xf32>
        %max3A_879 = arith.maximumf %sub3A_876, %max3A_878 : vector<8x128xf32>
        %mul3A_880 = arith.mulf %max3A_871, %max3A_879 : vector<8x128xf32>
        %get3A_881 = arith.index_cast %min3A_855 : i32 to index
        %get3A_882 = memref.load %arg8[%get3A_881] : memref<768xf32, #tpu.memory_space<smem>>
        %add3A_883 = vector.broadcast %get3A_882 : f32 to vector<8x128xf32>
        %add3A_884 = arith.addf %add3A_364, %add3A_883 : vector<8x128xf32>
        %gt3A_885 = arith.cmpf ogt, %mul3A_880, %add3A_884 : vector<8x128xf32>
        %jit3A_886 = arith.constant 1073741824 : i32
        %broadcast_in_dim3A_887 = vector.broadcast %jit3A_886 : i32 to vector<8x128xi32>
        %select_n3A_888 = arith.select %gt3A_885, %broadcast_in_dim3A_887, %select_n3A_848 : vector<8x128xi1>, vector<8x128xi32>
        %mul3A_889 = arith.constant 16 : i32
        %mul3A_890 = arith.muli %mul3A_889, %while3A_408 : i32
        %add3A_891 = arith.constant 12 : i32
        %add3A_892 = arith.addi %mul3A_890, %add3A_891 : i32
        %sub3A_893 = arith.constant 1 : i32
        %sub3A_894 = arith.subi %while3A_327, %sub3A_893 : i32
        %min3A_895 = arith.minsi %add3A_892, %sub3A_894 : i32
        %get3A_896 = arith.index_cast %min3A_895 : i32 to index
        %get3A_897 = memref.load %arg4[%get3A_896] : memref<768xf32, #tpu.memory_space<smem>>
        %get3A_898 = arith.index_cast %min3A_895 : i32 to index
        %get3A_899 = memref.load %arg5[%get3A_898] : memref<768xf32, #tpu.memory_space<smem>>
        %get3A_900 = arith.index_cast %min3A_895 : i32 to index
        %get3A_901 = memref.load %arg6[%get3A_900] : memref<768xf32, #tpu.memory_space<smem>>
        %get3A_902 = arith.index_cast %min3A_895 : i32 to index
        %get3A_903 = memref.load %arg7[%get3A_902] : memref<768xf32, #tpu.memory_space<smem>>
        %min3A_904 = vector.broadcast %get3A_901 : f32 to vector<8x128xf32>
        %min3A_905 = arith.minimumf %min3A_904, %get3A_345 : vector<8x128xf32>
        %max3A_906 = vector.broadcast %get3A_897 : f32 to vector<8x128xf32>
        %max3A_907 = arith.maximumf %max3A_906, %get3A_335 : vector<8x128xf32>
        %sub3A_908 = arith.subf %min3A_905, %max3A_907 : vector<8x128xf32>
        %max3A_909 = arith.constant 0.000000e+00 : f32
        %max3A_910 = vector.broadcast %max3A_909 : f32 to vector<8x128xf32>
        %max3A_911 = arith.maximumf %sub3A_908, %max3A_910 : vector<8x128xf32>
        %min3A_912 = vector.broadcast %get3A_903 : f32 to vector<8x128xf32>
        %min3A_913 = arith.minimumf %min3A_912, %get3A_350 : vector<8x128xf32>
        %max3A_914 = vector.broadcast %get3A_899 : f32 to vector<8x128xf32>
        %max3A_915 = arith.maximumf %max3A_914, %get3A_340 : vector<8x128xf32>
        %sub3A_916 = arith.subf %min3A_913, %max3A_915 : vector<8x128xf32>
        %max3A_917 = arith.constant 0.000000e+00 : f32
        %max3A_918 = vector.broadcast %max3A_917 : f32 to vector<8x128xf32>
        %max3A_919 = arith.maximumf %sub3A_916, %max3A_918 : vector<8x128xf32>
        %mul3A_920 = arith.mulf %max3A_911, %max3A_919 : vector<8x128xf32>
        %get3A_921 = arith.index_cast %min3A_895 : i32 to index
        %get3A_922 = memref.load %arg8[%get3A_921] : memref<768xf32, #tpu.memory_space<smem>>
        %add3A_923 = vector.broadcast %get3A_922 : f32 to vector<8x128xf32>
        %add3A_924 = arith.addf %add3A_364, %add3A_923 : vector<8x128xf32>
        %gt3A_925 = arith.cmpf ogt, %mul3A_920, %add3A_924 : vector<8x128xf32>
        %jit3A_926 = arith.constant 1073741824 : i32
        %broadcast_in_dim3A_927 = vector.broadcast %jit3A_926 : i32 to vector<8x128xi32>
        %select_n3A_928 = arith.select %gt3A_925, %broadcast_in_dim3A_927, %select_n3A_888 : vector<8x128xi1>, vector<8x128xi32>
        %mul3A_929 = arith.constant 16 : i32
        %mul3A_930 = arith.muli %mul3A_929, %while3A_408 : i32
        %add3A_931 = arith.constant 13 : i32
        %add3A_932 = arith.addi %mul3A_930, %add3A_931 : i32
        %sub3A_933 = arith.constant 1 : i32
        %sub3A_934 = arith.subi %while3A_327, %sub3A_933 : i32
        %min3A_935 = arith.minsi %add3A_932, %sub3A_934 : i32
        %get3A_936 = arith.index_cast %min3A_935 : i32 to index
        %get3A_937 = memref.load %arg4[%get3A_936] : memref<768xf32, #tpu.memory_space<smem>>
        %get3A_938 = arith.index_cast %min3A_935 : i32 to index
        %get3A_939 = memref.load %arg5[%get3A_938] : memref<768xf32, #tpu.memory_space<smem>>
        %get3A_940 = arith.index_cast %min3A_935 : i32 to index
        %get3A_941 = memref.load %arg6[%get3A_940] : memref<768xf32, #tpu.memory_space<smem>>
        %get3A_942 = arith.index_cast %min3A_935 : i32 to index
        %get3A_943 = memref.load %arg7[%get3A_942] : memref<768xf32, #tpu.memory_space<smem>>
        %min3A_944 = vector.broadcast %get3A_941 : f32 to vector<8x128xf32>
        %min3A_945 = arith.minimumf %min3A_944, %get3A_345 : vector<8x128xf32>
        %max3A_946 = vector.broadcast %get3A_937 : f32 to vector<8x128xf32>
        %max3A_947 = arith.maximumf %max3A_946, %get3A_335 : vector<8x128xf32>
        %sub3A_948 = arith.subf %min3A_945, %max3A_947 : vector<8x128xf32>
        %max3A_949 = arith.constant 0.000000e+00 : f32
        %max3A_950 = vector.broadcast %max3A_949 : f32 to vector<8x128xf32>
        %max3A_951 = arith.maximumf %sub3A_948, %max3A_950 : vector<8x128xf32>
        %min3A_952 = vector.broadcast %get3A_943 : f32 to vector<8x128xf32>
        %min3A_953 = arith.minimumf %min3A_952, %get3A_350 : vector<8x128xf32>
        %max3A_954 = vector.broadcast %get3A_939 : f32 to vector<8x128xf32>
        %max3A_955 = arith.maximumf %max3A_954, %get3A_340 : vector<8x128xf32>
        %sub3A_956 = arith.subf %min3A_953, %max3A_955 : vector<8x128xf32>
        %max3A_957 = arith.constant 0.000000e+00 : f32
        %max3A_958 = vector.broadcast %max3A_957 : f32 to vector<8x128xf32>
        %max3A_959 = arith.maximumf %sub3A_956, %max3A_958 : vector<8x128xf32>
        %mul3A_960 = arith.mulf %max3A_951, %max3A_959 : vector<8x128xf32>
        %get3A_961 = arith.index_cast %min3A_935 : i32 to index
        %get3A_962 = memref.load %arg8[%get3A_961] : memref<768xf32, #tpu.memory_space<smem>>
        %add3A_963 = vector.broadcast %get3A_962 : f32 to vector<8x128xf32>
        %add3A_964 = arith.addf %add3A_364, %add3A_963 : vector<8x128xf32>
        %gt3A_965 = arith.cmpf ogt, %mul3A_960, %add3A_964 : vector<8x128xf32>
        %jit3A_966 = arith.constant 1073741824 : i32
        %broadcast_in_dim3A_967 = vector.broadcast %jit3A_966 : i32 to vector<8x128xi32>
        %select_n3A_968 = arith.select %gt3A_965, %broadcast_in_dim3A_967, %select_n3A_928 : vector<8x128xi1>, vector<8x128xi32>
        %mul3A_969 = arith.constant 16 : i32
        %mul3A_970 = arith.muli %mul3A_969, %while3A_408 : i32
        %add3A_971 = arith.constant 14 : i32
        %add3A_972 = arith.addi %mul3A_970, %add3A_971 : i32
        %sub3A_973 = arith.constant 1 : i32
        %sub3A_974 = arith.subi %while3A_327, %sub3A_973 : i32
        %min3A_975 = arith.minsi %add3A_972, %sub3A_974 : i32
        %get3A_976 = arith.index_cast %min3A_975 : i32 to index
        %get3A_977 = memref.load %arg4[%get3A_976] : memref<768xf32, #tpu.memory_space<smem>>
        %get3A_978 = arith.index_cast %min3A_975 : i32 to index
        %get3A_979 = memref.load %arg5[%get3A_978] : memref<768xf32, #tpu.memory_space<smem>>
        %get3A_980 = arith.index_cast %min3A_975 : i32 to index
        %get3A_981 = memref.load %arg6[%get3A_980] : memref<768xf32, #tpu.memory_space<smem>>
        %get3A_982 = arith.index_cast %min3A_975 : i32 to index
        %get3A_983 = memref.load %arg7[%get3A_982] : memref<768xf32, #tpu.memory_space<smem>>
        %min3A_984 = vector.broadcast %get3A_981 : f32 to vector<8x128xf32>
        %min3A_985 = arith.minimumf %min3A_984, %get3A_345 : vector<8x128xf32>
        %max3A_986 = vector.broadcast %get3A_977 : f32 to vector<8x128xf32>
        %max3A_987 = arith.maximumf %max3A_986, %get3A_335 : vector<8x128xf32>
        %sub3A_988 = arith.subf %min3A_985, %max3A_987 : vector<8x128xf32>
        %max3A_989 = arith.constant 0.000000e+00 : f32
        %max3A_990 = vector.broadcast %max3A_989 : f32 to vector<8x128xf32>
        %max3A_991 = arith.maximumf %sub3A_988, %max3A_990 : vector<8x128xf32>
        %min3A_992 = vector.broadcast %get3A_983 : f32 to vector<8x128xf32>
        %min3A_993 = arith.minimumf %min3A_992, %get3A_350 : vector<8x128xf32>
        %max3A_994 = vector.broadcast %get3A_979 : f32 to vector<8x128xf32>
        %max3A_995 = arith.maximumf %max3A_994, %get3A_340 : vector<8x128xf32>
        %sub3A_996 = arith.subf %min3A_993, %max3A_995 : vector<8x128xf32>
        %max3A_997 = arith.constant 0.000000e+00 : f32
        %max3A_998 = vector.broadcast %max3A_997 : f32 to vector<8x128xf32>
        %max3A_999 = arith.maximumf %sub3A_996, %max3A_998 : vector<8x128xf32>
        %mul3A_1000 = arith.mulf %max3A_991, %max3A_999 : vector<8x128xf32>
        %get3A_1001 = arith.index_cast %min3A_975 : i32 to index
        %get3A_1002 = memref.load %arg8[%get3A_1001] : memref<768xf32, #tpu.memory_space<smem>>
        %add3A_1003 = vector.broadcast %get3A_1002 : f32 to vector<8x128xf32>
        %add3A_1004 = arith.addf %add3A_364, %add3A_1003 : vector<8x128xf32>
        %gt3A_1005 = arith.cmpf ogt, %mul3A_1000, %add3A_1004 : vector<8x128xf32>
        %jit3A_1006 = arith.constant 1073741824 : i32
        %broadcast_in_dim3A_1007 = vector.broadcast %jit3A_1006 : i32 to vector<8x128xi32>
        %select_n3A_1008 = arith.select %gt3A_1005, %broadcast_in_dim3A_1007, %select_n3A_968 : vector<8x128xi1>, vector<8x128xi32>
        %mul3A_1009 = arith.constant 16 : i32
        %mul3A_1010 = arith.muli %mul3A_1009, %while3A_408 : i32
        %add3A_1011 = arith.constant 15 : i32
        %add3A_1012 = arith.addi %mul3A_1010, %add3A_1011 : i32
        %sub3A_1013 = arith.constant 1 : i32
        %sub3A_1014 = arith.subi %while3A_327, %sub3A_1013 : i32
        %min3A_1015 = arith.minsi %add3A_1012, %sub3A_1014 : i32
        %get3A_1016 = arith.index_cast %min3A_1015 : i32 to index
        %get3A_1017 = memref.load %arg4[%get3A_1016] : memref<768xf32, #tpu.memory_space<smem>>
        %get3A_1018 = arith.index_cast %min3A_1015 : i32 to index
        %get3A_1019 = memref.load %arg5[%get3A_1018] : memref<768xf32, #tpu.memory_space<smem>>
        %get3A_1020 = arith.index_cast %min3A_1015 : i32 to index
        %get3A_1021 = memref.load %arg6[%get3A_1020] : memref<768xf32, #tpu.memory_space<smem>>
        %get3A_1022 = arith.index_cast %min3A_1015 : i32 to index
        %get3A_1023 = memref.load %arg7[%get3A_1022] : memref<768xf32, #tpu.memory_space<smem>>
        %min3A_1024 = vector.broadcast %get3A_1021 : f32 to vector<8x128xf32>
        %min3A_1025 = arith.minimumf %min3A_1024, %get3A_345 : vector<8x128xf32>
        %max3A_1026 = vector.broadcast %get3A_1017 : f32 to vector<8x128xf32>
        %max3A_1027 = arith.maximumf %max3A_1026, %get3A_335 : vector<8x128xf32>
        %sub3A_1028 = arith.subf %min3A_1025, %max3A_1027 : vector<8x128xf32>
        %max3A_1029 = arith.constant 0.000000e+00 : f32
        %max3A_1030 = vector.broadcast %max3A_1029 : f32 to vector<8x128xf32>
        %max3A_1031 = arith.maximumf %sub3A_1028, %max3A_1030 : vector<8x128xf32>
        %min3A_1032 = vector.broadcast %get3A_1023 : f32 to vector<8x128xf32>
        %min3A_1033 = arith.minimumf %min3A_1032, %get3A_350 : vector<8x128xf32>
        %max3A_1034 = vector.broadcast %get3A_1019 : f32 to vector<8x128xf32>
        %max3A_1035 = arith.maximumf %max3A_1034, %get3A_340 : vector<8x128xf32>
        %sub3A_1036 = arith.subf %min3A_1033, %max3A_1035 : vector<8x128xf32>
        %max3A_1037 = arith.constant 0.000000e+00 : f32
        %max3A_1038 = vector.broadcast %max3A_1037 : f32 to vector<8x128xf32>
        %max3A_1039 = arith.maximumf %sub3A_1036, %max3A_1038 : vector<8x128xf32>
        %mul3A_1040 = arith.mulf %max3A_1031, %max3A_1039 : vector<8x128xf32>
        %get3A_1041 = arith.index_cast %min3A_1015 : i32 to index
        %get3A_1042 = memref.load %arg8[%get3A_1041] : memref<768xf32, #tpu.memory_space<smem>>
        %add3A_1043 = vector.broadcast %get3A_1042 : f32 to vector<8x128xf32>
        %add3A_1044 = arith.addf %add3A_364, %add3A_1043 : vector<8x128xf32>
        %gt3A_1045 = arith.cmpf ogt, %mul3A_1040, %add3A_1044 : vector<8x128xf32>
        %jit3A_1046 = arith.constant 1073741824 : i32
        %broadcast_in_dim3A_1047 = vector.broadcast %jit3A_1046 : i32 to vector<8x128xi32>
        %select_n3A_1048 = arith.select %gt3A_1045, %broadcast_in_dim3A_1047, %select_n3A_1008 : vector<8x128xi1>, vector<8x128xi32>
        scf.yield %select_n3A_1048 : vector<8x128xi32>
      }
      %reduce_min3A = vector.shape_cast %while3A_400 : vector<8x128xi32> to vector<1x8x128xi32>
      %reduce_min3A_401 = arith.constant dense<2147483647> : vector<1xi32>
      %reduce_min3A_402 = vector.multi_reduction <minsi>, %reduce_min3A, %reduce_min3A_401 [1, 2] : vector<1x8x128xi32> to vector<1xi32>
      %reduce_min3A_403 = vector.shape_cast %reduce_min3A_402 : vector<1xi32> to vector<1x1x1xi32>
      %reduce_min3A_404 = vector.extract %reduce_min3A_403[0, 0, 0] : i32 from vector<1x1x1xi32>
      %while3A_405:5 = scf.while (%while3A_408 = %while3A_326, %while3A_409 = %while3A_327, %while3A_410 = %reduce_min3A_404, %while3A_411 = %while3A_400, %while3A_412 = %while3A_328) : (i32, i32, i32, vector<8x128xi32>, vector<8x128xi32>) -> (i32, i32, i32, vector<8x128xi32>, vector<8x128xi32>) {
        %lt3A = arith.constant 750 : i32
        %lt3A_413 = arith.cmpi slt, %while3A_408, %lt3A : i32
        %lt3A_414 = arith.constant 20480 : i32
        %lt3A_415 = arith.cmpi slt, %while3A_410, %lt3A_414 : i32
        %and3A_416 = arith.andi %lt3A_413, %lt3A_415 : i1
        scf.condition(%and3A_416) %while3A_408, %while3A_409, %while3A_410, %while3A_411, %while3A_412 : i32, i32, i32, vector<8x128xi32>, vector<8x128xi32>
      } do {
      ^bb0(%while3A_408: i32, %while3A_409: i32, %while3A_410: i32, %while3A_411: vector<8x128xi32>, %while3A_412: vector<8x128xi32>):
        %jit3A_413 = arith.constant 128 : i32
        %div3A_414 = arith.divsi %while3A_410, %jit3A_413 : i32
        %sign3A_415 = arith.constant 0 : i32
        %sign3A_416 = arith.cmpi sgt, %while3A_410, %sign3A_415 : i32
        %sign3A_417 = arith.extui %sign3A_416 : i1 to i32
        %sign3A_418 = arith.constant 0 : i32
        %sign3A_419 = arith.cmpi slt, %while3A_410, %sign3A_418 : i32
        %sign3A_420 = arith.extui %sign3A_419 : i1 to i32
        %sign3A_421 = arith.subi %sign3A_417, %sign3A_420 : i32
        %sign3A_422 = arith.constant 0 : i32
        %sign3A_423 = arith.cmpi sgt, %jit3A_413, %sign3A_422 : i32
        %sign3A_424 = arith.extui %sign3A_423 : i1 to i32
        %sign3A_425 = arith.constant 0 : i32
        %sign3A_426 = arith.cmpi slt, %jit3A_413, %sign3A_425 : i32
        %sign3A_427 = arith.extui %sign3A_426 : i1 to i32
        %sign3A_428 = arith.subi %sign3A_424, %sign3A_427 : i32
        %ne3A_429 = arith.cmpi ne, %sign3A_421, %sign3A_428 : i32
        %rem3A_430 = arith.remsi %while3A_410, %jit3A_413 : i32
        %ne3A_431 = arith.constant 0 : i32
        %ne3A_432 = arith.cmpi ne, %rem3A_430, %ne3A_431 : i32
        %and3A_433 = arith.andi %ne3A_429, %ne3A_432 : i1
        %sub3A_434 = arith.constant 1 : i32
        %sub3A_435 = arith.subi %div3A_414, %sub3A_434 : i32
        %select_n3A_436 = arith.select %and3A_433, %sub3A_435, %div3A_414 : i32
        %mul3A_437 = arith.constant 128 : i32
        %mul3A_438 = arith.muli %select_n3A_436, %mul3A_437 : i32
        %sub3A_439 = arith.subi %while3A_410, %mul3A_438 : i32
        %get3A_440 = arith.constant 0 : index
        %get3A_441 = arith.index_cast %select_n3A_436 : i32 to index
        %get3A_442 = arith.constant 0 : index
        %get3A_443 = vector.load %arg1[%get3A_440, %get3A_441, %get3A_442] : memref<14x160x128xf32, #tpu.memory_space<vmem>>, vector<1x1x128xf32>
        %get3A_444 = vector.shape_cast %get3A_443 : vector<1x1x128xf32> to vector<1x128xf32>
        %eq3A = vector.broadcast %sub3A_439 : i32 to vector<1x128xi32>
        %eq3A_445 = arith.cmpi eq, %iota3A_305, %eq3A : vector<1x128xi32>
        %jit3A_446 = arith.constant 0.000000e+00 : f32
        %broadcast_in_dim3A_447 = vector.broadcast %jit3A_446 : f32 to vector<1x128xf32>
        %select_n3A_448 = arith.select %eq3A_445, %get3A_444, %broadcast_in_dim3A_447 : vector<1x128xi1>, vector<1x128xf32>
        %reduce_sum3A = vector.shape_cast %select_n3A_448 : vector<1x128xf32> to vector<1x1x128xf32>
        %reduce_sum3A_449 = arith.constant dense<0.000000e+00> : vector<1xf32>
        %reduce_sum3A_450 = vector.multi_reduction <add>, %reduce_sum3A, %reduce_sum3A_449 [1, 2] : vector<1x1x128xf32> to vector<1xf32>
        %reduce_sum3A_451 = vector.shape_cast %reduce_sum3A_450 : vector<1xf32> to vector<1x1x1xf32>
        %reduce_sum3A_452 = vector.extract %reduce_sum3A_451[0, 0, 0] : f32 from vector<1x1x1xf32>
        %get3A_453 = arith.constant 1 : index
        %get3A_454 = arith.index_cast %select_n3A_436 : i32 to index
        %get3A_455 = arith.constant 0 : index
        %get3A_456 = vector.load %arg1[%get3A_453, %get3A_454, %get3A_455] : memref<14x160x128xf32, #tpu.memory_space<vmem>>, vector<1x1x128xf32>
        %get3A_457 = vector.shape_cast %get3A_456 : vector<1x1x128xf32> to vector<1x128xf32>
        %eq3A_458 = vector.broadcast %sub3A_439 : i32 to vector<1x128xi32>
        %eq3A_459 = arith.cmpi eq, %iota3A_305, %eq3A_458 : vector<1x128xi32>
        %jit3A_460 = arith.constant 0.000000e+00 : f32
        %broadcast_in_dim3A_461 = vector.broadcast %jit3A_460 : f32 to vector<1x128xf32>
        %select_n3A_462 = arith.select %eq3A_459, %get3A_457, %broadcast_in_dim3A_461 : vector<1x128xi1>, vector<1x128xf32>
        %reduce_sum3A_463 = vector.shape_cast %select_n3A_462 : vector<1x128xf32> to vector<1x1x128xf32>
        %reduce_sum3A_464 = arith.constant dense<0.000000e+00> : vector<1xf32>
        %reduce_sum3A_465 = vector.multi_reduction <add>, %reduce_sum3A_463, %reduce_sum3A_464 [1, 2] : vector<1x1x128xf32> to vector<1xf32>
        %reduce_sum3A_466 = vector.shape_cast %reduce_sum3A_465 : vector<1xf32> to vector<1x1x1xf32>
        %reduce_sum3A_467 = vector.extract %reduce_sum3A_466[0, 0, 0] : f32 from vector<1x1x1xf32>
        %get3A_468 = arith.constant 2 : index
        %get3A_469 = arith.index_cast %select_n3A_436 : i32 to index
        %get3A_470 = arith.constant 0 : index
        %get3A_471 = vector.load %arg1[%get3A_468, %get3A_469, %get3A_470] : memref<14x160x128xf32, #tpu.memory_space<vmem>>, vector<1x1x128xf32>
        %get3A_472 = vector.shape_cast %get3A_471 : vector<1x1x128xf32> to vector<1x128xf32>
        %eq3A_473 = vector.broadcast %sub3A_439 : i32 to vector<1x128xi32>
        %eq3A_474 = arith.cmpi eq, %iota3A_305, %eq3A_473 : vector<1x128xi32>
        %jit3A_475 = arith.constant 0.000000e+00 : f32
        %broadcast_in_dim3A_476 = vector.broadcast %jit3A_475 : f32 to vector<1x128xf32>
        %select_n3A_477 = arith.select %eq3A_474, %get3A_472, %broadcast_in_dim3A_476 : vector<1x128xi1>, vector<1x128xf32>
        %reduce_sum3A_478 = vector.shape_cast %select_n3A_477 : vector<1x128xf32> to vector<1x1x128xf32>
        %reduce_sum3A_479 = arith.constant dense<0.000000e+00> : vector<1xf32>
        %reduce_sum3A_480 = vector.multi_reduction <add>, %reduce_sum3A_478, %reduce_sum3A_479 [1, 2] : vector<1x1x128xf32> to vector<1xf32>
        %reduce_sum3A_481 = vector.shape_cast %reduce_sum3A_480 : vector<1xf32> to vector<1x1x1xf32>
        %reduce_sum3A_482 = vector.extract %reduce_sum3A_481[0, 0, 0] : f32 from vector<1x1x1xf32>
        %get3A_483 = arith.constant 3 : index
        %get3A_484 = arith.index_cast %select_n3A_436 : i32 to index
        %get3A_485 = arith.constant 0 : index
        %get3A_486 = vector.load %arg1[%get3A_483, %get3A_484, %get3A_485] : memref<14x160x128xf32, #tpu.memory_space<vmem>>, vector<1x1x128xf32>
        %get3A_487 = vector.shape_cast %get3A_486 : vector<1x1x128xf32> to vector<1x128xf32>
        %eq3A_488 = vector.broadcast %sub3A_439 : i32 to vector<1x128xi32>
        %eq3A_489 = arith.cmpi eq, %iota3A_305, %eq3A_488 : vector<1x128xi32>
        %jit3A_490 = arith.constant 0.000000e+00 : f32
        %broadcast_in_dim3A_491 = vector.broadcast %jit3A_490 : f32 to vector<1x128xf32>
        %select_n3A_492 = arith.select %eq3A_489, %get3A_487, %broadcast_in_dim3A_491 : vector<1x128xi1>, vector<1x128xf32>
        %reduce_sum3A_493 = vector.shape_cast %select_n3A_492 : vector<1x128xf32> to vector<1x1x128xf32>
        %reduce_sum3A_494 = arith.constant dense<0.000000e+00> : vector<1xf32>
        %reduce_sum3A_495 = vector.multi_reduction <add>, %reduce_sum3A_493, %reduce_sum3A_494 [1, 2] : vector<1x1x128xf32> to vector<1xf32>
        %reduce_sum3A_496 = vector.shape_cast %reduce_sum3A_495 : vector<1xf32> to vector<1x1x1xf32>
        %reduce_sum3A_497 = vector.extract %reduce_sum3A_496[0, 0, 0] : f32 from vector<1x1x1xf32>
        %sub3A_498 = arith.subf %reduce_sum3A_482, %reduce_sum3A_452 : f32
        %max3A_499 = arith.constant 0.000000e+00 : f32
        %max3A_500 = arith.maximumf %sub3A_498, %max3A_499 : f32
        %sub3A_501 = arith.subf %reduce_sum3A_497, %reduce_sum3A_467 : f32
        %max3A_502 = arith.constant 0.000000e+00 : f32
        %max3A_503 = arith.maximumf %sub3A_501, %max3A_502 : f32
        %mul3A_504 = arith.mulf %max3A_500, %max3A_503 : f32
        %swap3A_505 = arith.index_cast %while3A_409 : i32 to index
        %swap3A_506 = memref.load %arg4[%swap3A_505] : memref<768xf32, #tpu.memory_space<smem>>
        memref.store %reduce_sum3A_452, %arg4[%swap3A_505] : memref<768xf32, #tpu.memory_space<smem>>
        %swap3A_507 = arith.index_cast %while3A_409 : i32 to index
        %swap3A_508 = memref.load %arg5[%swap3A_507] : memref<768xf32, #tpu.memory_space<smem>>
        memref.store %reduce_sum3A_467, %arg5[%swap3A_507] : memref<768xf32, #tpu.memory_space<smem>>
        %swap3A_509 = arith.index_cast %while3A_409 : i32 to index
        %swap3A_510 = memref.load %arg6[%swap3A_509] : memref<768xf32, #tpu.memory_space<smem>>
        memref.store %reduce_sum3A_482, %arg6[%swap3A_509] : memref<768xf32, #tpu.memory_space<smem>>
        %swap3A_511 = arith.index_cast %while3A_409 : i32 to index
        %swap3A_512 = memref.load %arg7[%swap3A_511] : memref<768xf32, #tpu.memory_space<smem>>
        memref.store %reduce_sum3A_497, %arg7[%swap3A_511] : memref<768xf32, #tpu.memory_space<smem>>
        %mul3A_513 = arith.constant 0.285714298 : f32
        %mul3A_514 = arith.mulf %mul3A_504, %mul3A_513 : f32
        %swap3A_515 = arith.index_cast %while3A_409 : i32 to index
        %swap3A_516 = memref.load %arg8[%swap3A_515] : memref<768xf32, #tpu.memory_space<smem>>
        memref.store %mul3A_514, %arg8[%swap3A_515] : memref<768xf32, #tpu.memory_space<smem>>
        %min3A = vector.broadcast %reduce_sum3A_482 : f32 to vector<8x128xf32>
        %min3A_517 = arith.minimumf %min3A, %get3A_345 : vector<8x128xf32>
        %max3A_518 = vector.broadcast %reduce_sum3A_452 : f32 to vector<8x128xf32>
        %max3A_519 = arith.maximumf %max3A_518, %get3A_335 : vector<8x128xf32>
        %sub3A_520 = arith.subf %min3A_517, %max3A_519 : vector<8x128xf32>
        %max3A_521 = arith.constant 0.000000e+00 : f32
        %max3A_522 = vector.broadcast %max3A_521 : f32 to vector<8x128xf32>
        %max3A_523 = arith.maximumf %sub3A_520, %max3A_522 : vector<8x128xf32>
        %min3A_524 = vector.broadcast %reduce_sum3A_497 : f32 to vector<8x128xf32>
        %min3A_525 = arith.minimumf %min3A_524, %get3A_350 : vector<8x128xf32>
        %max3A_526 = vector.broadcast %reduce_sum3A_467 : f32 to vector<8x128xf32>
        %max3A_527 = arith.maximumf %max3A_526, %get3A_340 : vector<8x128xf32>
        %sub3A_528 = arith.subf %min3A_525, %max3A_527 : vector<8x128xf32>
        %max3A_529 = arith.constant 0.000000e+00 : f32
        %max3A_530 = vector.broadcast %max3A_529 : f32 to vector<8x128xf32>
        %max3A_531 = arith.maximumf %sub3A_528, %max3A_530 : vector<8x128xf32>
        %mul3A_532 = arith.mulf %max3A_523, %max3A_531 : vector<8x128xf32>
        %mul3A_533 = arith.constant 0.285714298 : f32
        %mul3A_534 = arith.mulf %mul3A_504, %mul3A_533 : f32
        %add3A_535 = vector.broadcast %mul3A_534 : f32 to vector<8x128xf32>
        %add3A_536 = arith.addf %add3A_364, %add3A_535 : vector<8x128xf32>
        %gt3A_537 = arith.cmpf ogt, %mul3A_532, %add3A_536 : vector<8x128xf32>
        %eq3A_538 = vector.broadcast %while3A_410 : i32 to vector<8x128xi32>
        %eq3A_539 = arith.cmpi eq, %while3A_411, %eq3A_538 : vector<8x128xi32>
        %or3A = arith.ori %gt3A_537, %eq3A_539 : vector<8x128xi1>
        %jit3A_540 = arith.constant 1073741824 : i32
        %broadcast_in_dim3A_541 = vector.broadcast %jit3A_540 : i32 to vector<8x128xi32>
        %select_n3A_542 = arith.select %or3A, %broadcast_in_dim3A_541, %while3A_411 : vector<8x128xi1>, vector<8x128xi32>
        %eq3A_543 = vector.broadcast %while3A_408 : i32 to vector<8x128xi32>
        %eq3A_544 = arith.cmpi eq, %add3A_311, %eq3A_543 : vector<8x128xi32>
        %broadcast_in_dim3A_545 = vector.broadcast %while3A_410 : i32 to vector<8x128xi32>
        %select_n3A_546 = arith.select %eq3A_544, %broadcast_in_dim3A_545, %while3A_412 : vector<8x128xi1>, vector<8x128xi32>
        %add3A_547 = arith.constant 1 : i32
        %add3A_548 = arith.addi %while3A_408, %add3A_547 : i32
        %add3A_549 = arith.constant 1 : i32
        %add3A_550 = arith.addi %while3A_409, %add3A_549 : i32
        %reduce_min3A_551 = vector.shape_cast %select_n3A_542 : vector<8x128xi32> to vector<1x8x128xi32>
        %reduce_min3A_552 = arith.constant dense<2147483647> : vector<1xi32>
        %reduce_min3A_553 = vector.multi_reduction <minsi>, %reduce_min3A_551, %reduce_min3A_552 [1, 2] : vector<1x8x128xi32> to vector<1xi32>
        %reduce_min3A_554 = vector.shape_cast %reduce_min3A_553 : vector<1xi32> to vector<1x1x1xi32>
        %reduce_min3A_555 = vector.extract %reduce_min3A_554[0, 0, 0] : i32 from vector<1x1x1xi32>
        scf.yield %add3A_548, %add3A_550, %reduce_min3A_555, %select_n3A_542, %select_n3A_546 : i32, i32, i32, vector<8x128xi32>, vector<8x128xi32>
      }
      %add3A_406 = arith.constant 1 : i32
      %add3A_407 = arith.addi %while3A_325, %add3A_406 : i32
      scf.yield %add3A_407, %while3A_405#0, %while3A_405#1, %while3A_405#4 : i32, i32, i32, vector<8x128xi32>
    }
    %swap3A_322 = arith.constant 0 : index
    %swap3A_323 = arith.constant 0 : index
    %swap3A_324 = vector.load %arg2[%swap3A_322, %swap3A_323] : memref<8x128xi32, #tpu.memory_space<vmem>>, vector<8x128xi32>
    tpu.vector_store %arg2[%swap3A_322, %swap3A_323], %while3A_321#3 {strides = array<i32>} : memref<8x128xi32, #tpu.memory_space<vmem>>, vector<8x128xi32>,
    return
  }
}

</mosaic_0001>

<sc_bundles>
// kernel: kernel.4.cloned.1.call-start
scs
__scs_entry_jumppad:
0x0: {  	(pc) =	sbr.rel $0x88, $3  }
0x1: {  	(tag) =	ssettag $0x0;
	lr =	simm.s32 $0x1  }
0x2: {  	[smem:$0x3F9D] =	sst lr;
	_ =	strace $0xD0000000  }
0x3: {  	_ = 	snop  }
0x4: {  	_ = 	snop  }
0x5: {  	_ = 	snop  }
0x6: {  	_ = 	snop  }
0x7: {  	_ = 	snop  }
__scs_overlays_trampoline_lowered:
0x8: {  	[smem:$0x3FAC] =	sst s0  }
0x9: {  	[smem:$0x3FAD] =	sst s1  }
0xa: {  	[smem:$0x3FAE] =	sst s2  }
0xb: {  	[smem:$0x3FAF] =	sst s3  }
0xc: {  	[smem:$0x3FB0] =	sst s4  }
0xd: {  	[smem:$0x3FB1] =	sst s5  }
0xe: {  	[smem:$0x3FB2] =	sst s6  }
0xf: {  	[smem:$0x3FB3] =	sst s7  }
0x10: {  	[smem:$0x3FB4] =	sst s8  }
0x11: {  	[smem:$0x3FB5] =	sst s9;
	s0 =	simm.s32 @!p0 $0x0  }
0x12: {  	s1 =	sld [smem:$0x3F9B];
	s0 =	simm.s32 @p0 $0x1  }
0x13: {  	[smem:$0x3FB6] =	sst s0;
	s0 =	simm.s32 @!p1 $0x0  }
0x14: {  	s2 =	sld [smem:$0x3F9A];
	s0 =	simm.s32 @p1 $0x1  }
0x15: {  	[smem:$0x3FB7] =	sst s0;
	s0 =	simm.s32 @!p2 $0x0  }
0x16: {  	s3 =	sld [smem:$0x3FDB];
	s0 =	simm.s32 @p2 $0x1  }
0x17: {  	s4 =	simm.s32 $0x1BF5;
	[smem:$0x3FB9] =	sst s0  }
0x18: {  	s0 =	sld [smem:$0x3F9C];
	_ =	swait.ge [sflag:s4], $0x0  }
0x19: {  	s7 =	sld [smem:$0x3F9D]  }
0x1a: {  	s8 =	sadd.s32 $0xFFFFE003, lr  }
0x1b: {  	s9 =	sadd.s32 $0xFFFFFEF7, lr;
	s5 =	simm.s32 $0xFFFFFFFF;
	p2 =	slt.u32 s8, $0xFFFFF086  }
0x1c: {  	p1 =	slt.u32 s9, $0xF7A;
	s5 =	simm.s32 @!p2 $0x0  }
0x1d: {  	s5 =	simm.s32 @p1 $0x1;
	p0 =	seq.s32 s7, s2  }
0x1e: {  	s7 =	smul.u32 @!p0 $0xF7A, s2;
	p2 =	seq.s32 @!p0 s5, $0x0  }
0x1f: {  	s9 =	smul.u32 $0xF7A, s1;
	s8 =	simm.s32 @!p0 $0x1BF5;
	p2 =	por !p2, p0  }
0x20: {  	[sflag:s8] =	ssyncset.s32 @!p0 $0xFFFFF086;
	s6 =	sadd.s32 @!p0 s3, s7;
	s7 =	simm.s32 @!p0 $0x108  }
0x21: {  	s3 =	sadd.s32 s3, s9;
	s6 =	sadd.s32 @!p0 $0x88, s6;
	s7 =	simm.s32 @p2 $0x1082  }
0x22: {  	[simem:s7], [sflag:s8] =	dma.local @!p0 [hbm:s6], $0xF7A  }
0x23: {  	s9 =	sor.u32 $0xD0000000, s2;
	s6 =	simm.s32 $0x108;
	_ =	swait.ge @!p0 [sflag:s8], $0x0  }
0x24: {  	s3 =	sadd.s32 $0x88, s3;
	s6 =	simm.s32 @!p1 $0x1082;
	[sflag:s4] =	ssyncset.s32 $0xFFFFF086  }
0x25: {  	[simem:s6], [sflag:s4] =	dma.local [hbm:s3], $0xF7A  }
0x26: {  	[smem:$0x3F9D] =	sst s1;
	(tag) =	ssettag s2;
	_ =	strace s9  }
0x27: {  	s1 =	sld [smem:$0x3FAD]  }
0x28: {  	s2 =	sld [smem:$0x3FAE]  }
0x29: {  	s4 =	sld [smem:$0x3FB0]  }
0x2a: {  	p0 =	seq.s32 s5, $0x0;
	s5 =	sld [smem:$0x3FB1]  }
0x2b: {  	s6 =	sld [smem:$0x3FB2]  }
0x2c: {  	s7 =	sld [smem:$0x3FB3]  }
0x2d: {  	s3 =	simm.s32 $0x108;
	s8 =	sld [smem:$0x3FB4]  }
0x2e: {  	s3 =	simm.s32 @!p0 $0x1082;
	s9 =	sld [smem:$0x3FB5]  }
0x2f: {  	lr =	sadd.s32 s0, s3;
	s0 =	sld [smem:$0x3FAC]  }
0x30: {  	s3 =	sld [smem:$0x3FAF]  }
0x31: {  	[smem:$0x3FB8] =	sst s10  }
0x32: {  	s10 =	sld [smem:$0x3FB6];
	_ =	sdelay $0x3  }
0x33: {  	p0 =	seq.s32 s10, $0x1;
	s10 =	sld [smem:$0x3FB8];
	_ =	sdelay $0x3  }
0x34: {  	[smem:$0x3FB8] =	sst s10  }
0x35: {  	s10 =	sld [smem:$0x3FB7];
	_ =	sdelay $0x3  }
0x36: {  	p1 =	seq.s32 s10, $0x1;
	s10 =	sld [smem:$0x3FB8];
	_ =	sdelay $0x3  }
0x37: {  	[smem:$0x3FB8] =	sst s10  }
0x38: {  	s10 =	sld [smem:$0x3FB9]  }
0x39: {  	_ = 	snop;
	(pc) =	sbr.ind lr, $3  }
0x3a: {  	_ = 	snop  }
0x3b: {  	_ = 	snop  }
0x3c: {  	p2 =	seq.s32 s10, $0x1;
	s10 =	sld [smem:$0x3FB8]  }
0x3d: {  	_ =	shalt  }
0x3e: {  	_ =	shalt  }
0x3f: {  	_ =	shalt  }
0x40: {  	_ =	shalt  }
0x41: {  	_ =	shalt  }
0x42: {  	_ =	shalt  }
0x43: {  	_ =	shalt  }
0x44: {  	_ =	shalt  }
0x45: {  	_ =	shalt  }
0x46: {  	_ =	shalt  }
0x47: {  	_ =	shalt  }
0x48: {  	_ =	shalt  }
0x49: {  	_ =	shalt  }
0x4a: {  	_ =	shalt  }
0x4b: {  	_ =	shalt  }
0x4c: {  	_ =	shalt  }
0x4d: {  	_ =	shalt  }
0x4e: {  	_ =	shalt  }
0x4f: {  	_ =	shalt  }
0x50: {  	_ =	shalt  }
0x51: {  	_ =	shalt  }
0x52: {  	_ =	shalt  }
0x53: {  	_ =	shalt  }
0x54: {  	_ =	shalt  }
0x55: {  	_ =	shalt  }
0x56: {  	_ =	shalt  }
0x57: {  	_ =	shalt  }
0x58: {  	_ =	shalt  }
0x59: {  	_ =	shalt  }
0x5a: {  	_ =	shalt  }
0x5b: {  	_ =	shalt  }
0x5c: {  	_ =	shalt  }
0x5d: {  	_ =	shalt  }
0x5e: {  	_ =	shalt  }
0x5f: {  	_ =	shalt  }
0x60: {  	_ =	shalt  }
0x61: {  	_ =	shalt  }
0x62: {  	_ =	shalt  }
0x63: {  	_ =	shalt  }
0x64: {  	_ =	shalt  }
0x65: {  	_ =	shalt  }
0x66: {  	_ =	shalt  }
0x67: {  	_ =	shalt  }
0x68: {  	_ =	shalt  }
0x69: {  	_ =	shalt  }
0x6a: {  	_ =	shalt  }
0x6b: {  	_ =	shalt  }
0x6c: {  	_ =	shalt  }
0x6d: {  	_ =	shalt  }
0x6e: {  	_ =	shalt  }
0x6f: {  	_ =	shalt  }
0x70: {  	_ =	shalt  }
0x71: {  	_ =	shalt  }
0x72: {  	_ =	shalt  }
0x73: {  	_ =	shalt  }
0x74: {  	_ =	shalt  }
0x75: {  	_ =	shalt  }
0x76: {  	_ =	shalt  }
0x77: {  	_ =	shalt  }
0x78: {  	_ =	shalt  }
0x79: {  	_ =	shalt  }
0x7a: {  	_ =	shalt  }
0x7b: {  	_ =	shalt  }
0x7c: {  	_ =	shalt  }
0x7d: {  	_ =	shalt  }
0x7e: {  	_ =	shalt  }
0x7f: {  	_ =	shalt  }
0x80: {  	_ =	shalt  }
0x81: {  	_ =	shalt  }
0x82: {  	_ =	shalt  }
0x83: {  	_ =	shalt  }
0x84: {  	_ =	shalt  }
0x85: {  	_ =	shalt  }
0x86: {  	_ =	shalt  }
0x87: {  	_ =	shalt  }
.Lfunc_end0:
.L_simem_size_0:
called_computation_lowered:
.L_overlay_start_0:
0x88: {  	s2 =	sld [smem:$0x3FD9]  }
0x89: {  	s3 =	sld [smem:$0x3FFE];
	_ =	sdelay $0x1  }
0x8a: {  	s1 =	srdreg.scid  }
0x8b: {  	s0 =	sand.u32 $0x1, s1  }
0x8c: {  	s14 =	sshll.u32 s0, $0xA;
	s2 =	sadd.s32 s3, s2  }
0x8d: {  	s2 =	sadd.s32 s2, s14  }
0x8e: {  	[smem:$0x3FC4] =	sst s2  }
0x8f: {  	_ = 	snop  }
0x90: {  	s2 =	sld [smem:$0x3FD0];
	_ =	sdelay $0x2  }
0x91: {  	s15 =	simm.s32 $0xA;
	s4 =	simm.s32 $0x10  }
0x92: {  	[smem:s4], [sflag:s15] =	dma.local [hbm:s2], $0x1  }
0x93: {  	_ =	swait.eq [sflag:s15], $0x1  }
0x94: {  	[sflag:s15] =	ssyncset.done $0x0  }
0x95: {  	[sflag:s15] =	ssyncadd.s32 $0xFFFFFFFF  }
0x96: {  	s16 =	sld [smem:$0x10];
	(tm) =	ssettm $0x1  }
0x97: {  	s17 =	sld [smem:$0x3FFB];
	_ =	sdelay $0x3  }
0x98: {  	_ =	strace s17  }
0x99: {  	s3 =	sld [smem:$0x3FFC];
	_ =	sdelay $0x3  }
0x9a: {  	_ =	strace s3  }
0x9b: {  	s3 =	sld [smem:$0x3FFD];
	_ =	sdelay $0x3  }
0x9c: {  	_ =	strace s3  }
0x9d: {  	_ =	strace $0x8FFFFFFF  }
0x9e: {  	s18 =	sld [smem:$0x3FDB];
	_ =	sdelay $0x1  }
0x9f: {  	s19 =	simm.s32 $_scs_section_size  }
0xa0: {  	s5 =	simm.s32 $_size__tile_overlayer_lowered;
	s6 =	simm.s32 $_tile_overlayer_lowered  }
0xa1: {  	s22 =	simm.s32 $0x1BFF;
	s21 =	sshll.u32 s6, $0x1;
	s3 =	sadd.s32 s19, s18  }
0xa2: {  	s7 =	simm.s32 $0x0;
	s20 =	sshll.u32 s5, $0x1;
	s5 =	sadd.s32 s21, s3  }
0xa3: {  	[timem:s7], [sflag:s22] =	dma.local [hbm:s5], s20  }
0xa4: {  	_ =	swait.ge [sflag:s22], s20  }
0xa5: {  	s4 =	ssub.s32 $0x0, s20;
	[sflag:s22] =	ssyncset.done $0x0  }
0xa6: {  	[sflag:s22] =	ssyncadd.s32 s4;
	_ =	sdelay $0x1  }
0xa7: {  	s23 =	simm.s32 $0x1B8B  }
0xa8: {  	_ =	swait.ge [sflag:s23], $0x1  }
0xa9: {  	[sflag:s23] =	ssyncset.done $0x0  }
0xaa: {  	s25 =	simm.s32 $0x1B8E;
	s24 =	sld [smem:$0x3FFE];
	[sflag:s23] =	ssyncadd.s32 $0xFFFFFFFF  }
0xab: {  	s26 =	simm.s32 $execute0_lowered;
	[smem:$0x3FD2] =	sst s25  }
0xac: {  	s5 =	sshll.u32 s26, $0x1;
	_ =	strace $0x80000046;
	[dreg:$0x1] =	wrdreg $0xFFFFFFFF  }
0xad: {  	s28 =	simm.s32 $_size_execute0_lowered;
	s3 =	sadd.s32 s3, s5;
	[dreg:$0x0] =	wrdreg $0x0  }
0xae: {  	s5 =	sshll.u32 s28, $0x1;
	[dreg:$0x2] =	wrdreg s3  }
0xaf: {  	[dreg:$0x3] =	wrdreg s5  }
0xb0: {  	[dreg:$0x4] =	wrdreg $0xC0  }
0xb1: {  	_ =	task [dreg:s7], $0x5FFFF  }
0xb2: {  	[dreg:$0x1] =	wrdreg $0xFFFFFFFF  }
0xb3: {  	[dreg:$0x0] =	wrdreg $0x60  }
0xb4: {  	[dreg:$0x2] =	wrdreg s24  }
0xb5: {  	[dreg:$0x3] =	wrdreg s16  }
0xb6: {  	[dreg:$0x4] =	wrdreg $0x9  }
0xb7: {  	_ =	task.clear_ibuf [dreg:s7], $0x5FFFF;
	_ =	strace $0x90000046  }
0xb8: {  	s29 =	simm.s32 $0x9;
	_ =	strace $0x80000048  }
0xb9: {  	_ =	swait.ge [sflag:s29], $0x1  }
0xba: {  	[sflag:s29] =	ssyncadd.s32 $0xFFFFFFFF  }
0xbb: {  	_ =	strace $0x90000048  }
0xbc: {  	_ =	sfence  }
0xbd: {  	s30 =	sld [smem:$0x0];
	_ =	sdelay $0x2  }
0xbe: {  	s31 =	sshll.u32 s1, $0xD;
	s1 =	sshrl.u32 s1, $0x2  }
0xbf: {  	s3 =	sand.u32 $0x4000, s31;
	s1 =	sadd.s32 s1, s30  }
0xc0: {  	s0 =	sor.u32 s3, s0;
	s1 =	sshll.u32 s1, $0x11  }
0xc1: {  	s0 =	sor.u32 s1, s0  }
0xc2: {  	s0 =	sadd.s32 $0x8F2B, s0  }
0xc3: {  	[sflag:s0] =	ssyncadd.remote.s32 $0x1  }
0xc4: {  	_ =	sfence.sel $0xFFFF  }
0xc5: {  	[dreg:$0x0] =	wrdreg $0xFFFFFFFF;
	(pc) =	sbr.abs _section_cstart, $3  }
0xc6: {  	[dreg:$0x1] =	wrdreg $0xFFFFFFFF  }
0xc7: {  	_ =	task.clear_ibuf [dreg:s7], $0x2FFFF;
	_ =	strace $0x9FFFFFFF  }
0xc8: {  	(tm) =	ssettm $0x7FFFFFFF  }
0xc9: {  	_ =	shalt  }
tec
execute0_lowered:
.L_overlay_start_1:
0x0: {  	(tag) =	ssettag $0x1  }
0x1: {  	s1 =	srdreg.scid  }
0x2: {  	s0 =	stileid.u32;
	s9 =	rddreg [dreg:$0x0]  }
0x3: {  	s3 =	rddreg [dreg:$0x1];
	s6 =	sand.u32 $0x1, s1;
	s30 =	sshll.u32 s0, $0x1  }
0x4: {  	s2 =	simm.s32 $0x0;
	s1 =	rddreg [dreg:$0x2];
	s7 =	sor.u32 s6, s30  }
0x5: {  	s8 =	simm.s32 $0x1;
	[smem:$0x7FF] =	sst s2;
	s4 =	smul.u32 $0x3, s7  }
0x6: {  	s5 =	sadd.s32 $0xC00, s9;
	_ =	strace $0x80000047;
	s11 =	ssub.s32 $0x2, s6  }
0x7: {  	s6 =	simm.s32 $0x18;
	s4 =	sadd.s32 s3, s4;
	s3 =	simm.s32 $0x2  }
0x8: {  	[tilespmem:s2], [sflag:$0x2] =	stream.linear.gather [hbm4b:s4+s2], $0x18, $0x38;
	[tilespmem:$0xC80] =	vst v63  }
0x9: {  	s10 =	smul.u32 $0x180, s7;
	s12 =	sshrl.u32 s11, $0x1;
	_ =	swait.ge [sflag:s3], $0x18  }
0xa: {  	s7 =	simm.s32 $0x80;
	s31 =	ssub.s32 s11, s12;
	[sflag:s3] =	ssyncset.done $0x0  }
0xb: {  	s9 =	sadd.s32 s10, s9;
	s10 =	smax.u32 s31, $0x1;
	[sflag:s3] =	ssyncadd.s32 $0xFFFFFFE8  }
0xc: {  	[tilespmem:s7], [sflag:$0x1] =	stream.indirect.gather [hbm4b:s5+s6], $0x80, s2, s6, $0xb8;
	[tilespmem:$0xC80] =	vst v63  }
0xd: {  	p0 =	sne.s32 s10, $0x1;
	_ =	swait.ge [sflag:s8], $0xC00  }
.Ltmp0:
0xe: {  	[sflag:s8] =	ssyncset.done $0x0;
	(pc) =	sbr.rel @!p0 .LBB2_2-.Ltmp0, $4  }
0xf: {  	s9 =	sadd.s32 $0xAC00, s9;
	[sflag:s8] =	ssyncadd.s32 $0xFFFFF400  }
0x10: {  	[hbm4b:s9+s2] =	stream.linear.scatter [tilespmem:s7], [sflag:$0x2], $0xC00, $0x38;
	[tilespmem:$0xC80] =	vst v63  }
0x11: {  	_ =	swait.ge [sflag:s3], $0xC00  }
0x12: {  	s10 =	sadd.s32 $0xFFFFFFFF, s10;
	[sflag:s3] =	ssyncset.done $0x0  }
.LBB2_1:
0x13: {  	p0 =	sne.s32 s10, $0x1;
	s10 =	sadd.s32 $0xFFFFFFFF, s10;
	[sflag:s3] =	ssyncadd.s32 $0xFFFFF400  }
0x14: {  	[tilespmem:s2], [sflag:$0x2] =	stream.linear.gather [hbm4b:s4+s2], $0x18, $0x38;
	[tilespmem:$0xC80] =	vst v63  }
0x15: {  	_ =	swait.ge [sflag:s3], $0x18  }
0x16: {  	[sflag:s3] =	ssyncset.done $0x0  }
0x17: {  	[sflag:s3] =	ssyncadd.s32 $0xFFFFFFE8  }
0x18: {  	[tilespmem:s7], [sflag:$0x1] =	stream.indirect.gather [hbm4b:s5+s6], $0x80, s2, s6, $0xb8;
	[tilespmem:$0xC80] =	vst v63  }
0x19: {  	_ =	swait.ge [sflag:s8], $0xC00  }
.Ltmp1:
0x1a: {  	[sflag:s8] =	ssyncset.done $0x0;
	(pc) =	sbr.rel @p0 .LBB2_1-.Ltmp1, $4  }
0x1b: {  	[sflag:s8] =	ssyncadd.s32 $0xFFFFF400  }
0x1c: {  	[hbm4b:s9+s2] =	stream.linear.scatter [tilespmem:s7], [sflag:$0x2], $0xC00, $0x38;
	[tilespmem:$0xC80] =	vst v63  }
0x1d: {  	_ =	swait.ge [sflag:s3], $0xC00  }
0x1e: {  	[sflag:s3] =	ssyncset.done $0x0  }
.LBB2_2:
0x1f: {  	[sflag:s3] =	ssyncadd.s32 $0xFFFFF400  }
0x20: {  	_ =	sfence.sel $0x180000  }
0x21: {  	[bflag:$0x0] =	sbarrier.arrive $0xFFFF  }
0x22: {  	p0 =	sne.s32 s0, $0x0;
	_ =	strace $0x90000047  }
0x23: {  	s0 =	sadd.s32 @!p0 $0x100000, s1;
	[bflag:$0x2] =	sbarrier.arrive $0xFFFF  }
0x24: {  	[sflag:s0] =	ssyncadd.tile.s32 @!p0 $0x1;
	_ =	shalt  }
.Lfunc_end2:
_tile_overlayer_lowered:
.L_overlay_start_2:
0x25: {  	(tag) =	ssettag $0x2  }
0x26: {  	s0 =	rddreg [dreg:$0x0];
	s2 =	stileid.u32  }
0x27: {  	s1 =	rddreg [dreg:$0x1];
	p0 =	sne.s32 s2, $0x0  }
0x28: {  	s3 =	rddreg [dreg:$0x2];
	[bflag:$0x3] =	sbarrier.arrive $0xFFFF;
	s2 =	simm.s32 @!p0 $0x1C02  }
0x29: {  	[timem:s3], [sflag:s2] =	dma.local @!p0 [hbm:s0], s1  }
0x2a: {  	s0 =	simm.s32 @!p0 $0x2  }
0x2b: {  	_ =	swait.ge @!p0 [sflag:s0], s1  }
0x2c: {  	s1 =	ssub.s32 @!p0 $0x0, s1;
	[sflag:s0] =	ssyncset.done @!p0 $0x0  }
0x2d: {  	[sflag:s0] =	ssyncadd.s32 @!p0 s1  }
0x2e: {  	[bflag:$0x3] =	sbarrier.arrive $0xFFFF  }
0x2f: {  	_ =	shalt  }

</sc_bundles>
